<compile_context>
chip_gen: v7x
topology: tpu7x:2x2x1
jax: 0.10.2.dev20260603
libtpu: 0.0.44.dev20260713+nightly
codegen_flags: <defaults>
</compile_context>

<pallas_src>
import functools

import jax
import jax.numpy as jnp
from jax import lax
from jax.experimental import pallas as pl
from jax.experimental.pallas import tpu as pltpu
from jax.experimental.pallas import tpu_sc as plsc

_N = 4194304
_COLS = 1024
_ROWS = _N // _COLS

_SC_CHUNK = 16384
_NW = 32
_SC_K = 4
_SCN = _NW * _SC_CHUNK * _SC_K
_SC_PW = _SCN // _NW
_SC_ROWS = _SCN // _COLS

_TC_CHROWS = 512
_TC_ROWS = _ROWS - _SC_ROWS
_TC_NCH = _TC_ROWS // _TC_CHROWS
_TC_DEPTH = 4
_L = 16

_mesh = plsc.VectorSubcoreMesh(core_axis_name="c", subcore_axis_name="s")


@functools.partial(
    pl.kernel,
    out_type=jax.ShapeDtypeStruct((_NW, 3, _L), jnp.float32),
    mesh=_mesh,
    scratch_types=[
        pltpu.VMEM((2, _SC_CHUNK), jnp.float32),
        pltpu.VMEM((2, _SC_CHUNK), jnp.int32),
        pltpu.VMEM((3, _L), jnp.float32),
        pltpu.SemaphoreType.DMA,
        pltpu.SemaphoreType.DMA,
        pltpu.SemaphoreType.DMA,
        pltpu.SemaphoreType.DMA,
    ],
)
def _sc_partial(y_hbm, s_hbm, out_hbm, ybuf, sbuf, accv,
                sem_y0, sem_y1, sem_s0, sem_s1):
    wid = lax.axis_index("s") * 2 + lax.axis_index("c")
    base = wid * _SC_PW
    sems_y = (sem_y0, sem_y1)
    sems_s = (sem_s0, sem_s1)

    def start(k, slot):
        off = base + k * _SC_CHUNK
        cy = pltpu.make_async_copy(
            y_hbm.at[pl.ds(off, _SC_CHUNK)], ybuf.at[slot], sems_y[slot])
        cs = pltpu.make_async_copy(
            s_hbm.at[pl.ds(off, _SC_CHUNK)], sbuf.at[slot], sems_s[slot])
        cy.start()
        cs.start()
        return cy, cs

    def chunk_reduce(acc, slot):
        yb = ybuf.at[slot]
        sb = sbuf.at[slot]

        def body(i, acc):
            ay, ays, asf = acc
            yv = yb[pl.ds(i * _L, _L)]
            sv = sb[pl.ds(i * _L, _L)]
            ay = ay + yv
            ays = ays + jnp.where(sv == 1, yv, jnp.float32(0.0))
            asf = asf + sv.astype(jnp.float32)
            return (ay, ays, asf)

        return lax.fori_loop(0, _SC_CHUNK // _L, body, acc, unroll=8)

    zero = jnp.zeros((_L,), jnp.float32)
    acc = (zero, zero, zero)
    pending = start(0, 0)
    for k in range(_SC_K):
        slot = k % 2
        cy, cs = pending
        cy.wait()
        cs.wait()
        if k + 1 < _SC_K:
            pending = start(k + 1, (k + 1) % 2)
        acc = chunk_reduce(acc, slot)

    accv[0] = acc[0]
    accv[1] = acc[1]
    accv[2] = acc[2]
    pltpu.sync_copy(accv, out_hbm.at[wid])


def _tc_body(y_hbm, s_hbm, oy_ref, oys_ref, os_ref,
             ybuf, sbuf, sems_y, sems_s):
    def start(k):
        slot = k % _TC_DEPTH
        row0 = _SC_ROWS + k * _TC_CHROWS
        cy = pltpu.make_async_copy(
            y_hbm.at[pl.ds(row0, _TC_CHROWS), :], ybuf.at[slot],
            sems_y.at[slot])
        cs = pltpu.make_async_copy(
            s_hbm.at[pl.ds(row0, _TC_CHROWS), :], sbuf.at[slot],
            sems_s.at[slot])
        cy.start(priority=0)
        cs.start(priority=1)
        return cy, cs

    pending = [start(k) for k in range(min(_TC_DEPTH, _TC_NCH))]

    zero = jnp.zeros((8, _COLS), jnp.float32)
    acc = (zero, zero, zero)
    for k in range(_TC_NCH):
        slot = k % _TC_DEPTH
        cy, cs = pending[slot]
        cy.wait()
        cs.wait()

        def body(i, a, _slot=slot):
            ay, ays, asf = a
            yv = ybuf[_slot, pl.ds(i * 8, 8), :]
            sv = sbuf[_slot, pl.ds(i * 8, 8), :]
            ay = ay + yv
            ays = ays + jnp.where(sv == 1, yv, jnp.float32(0.0))
            asf = asf + sv.astype(jnp.float32)
            return (ay, ays, asf)

        acc = lax.fori_loop(0, _TC_CHROWS // 8, body, acc, unroll=2)
        if k + _TC_DEPTH < _TC_NCH:
            pending[slot] = start(k + _TC_DEPTH)

    oy_ref[0, 0] = jnp.sum(acc[0])
    oys_ref[0, 0] = jnp.sum(acc[1])
    os_ref[0, 0] = jnp.sum(acc[2])


_tc_reduce = pl.pallas_call(
    _tc_body,
    in_specs=[
        pl.BlockSpec(memory_space=pl.ANY),
        pl.BlockSpec(memory_space=pl.ANY),
    ],
    out_specs=[
        pl.BlockSpec(memory_space=pltpu.SMEM),
        pl.BlockSpec(memory_space=pltpu.SMEM),
        pl.BlockSpec(memory_space=pltpu.SMEM),
    ],
    out_shape=[
        jax.ShapeDtypeStruct((1, 1), jnp.float32),
        jax.ShapeDtypeStruct((1, 1), jnp.float32),
        jax.ShapeDtypeStruct((1, 1), jnp.float32),
    ],
    scratch_shapes=[
        pltpu.VMEM((_TC_DEPTH, _TC_CHROWS, _COLS), jnp.float32),
        pltpu.VMEM((_TC_DEPTH, _TC_CHROWS, _COLS), jnp.int32),
        pltpu.SemaphoreType.DMA((_TC_DEPTH,)),
        pltpu.SemaphoreType.DMA((_TC_DEPTH,)),
    ],
)


def kernel(y_pred, s):
    yf = y_pred.reshape(-1)
    sf = s.reshape(-1)
    sc_parts = _sc_partial(yf, sf)
    y2 = yf.reshape(_ROWS, _COLS)
    s2 = sf.reshape(_ROWS, _COLS)
    tcy, tcys, tccnt = _tc_reduce(y2, s2)
    sc_sums = jnp.sum(sc_parts, axis=(0, 2))
    sum_y = sc_sums[0] + tcy[0, 0]
    sum_ys = sc_sums[1] + tcys[0, 0]
    c1 = sc_sums[2] + tccnt[0, 0]
    c0 = jnp.float32(_N) - c1
    mean1 = sum_ys / c1
    mean0 = (sum_y - sum_ys) / c0
    return jnp.abs(mean0 - mean1)

# --- scband reference (transcript-rebuilt; emitter-appended) ---
"""Pipeline reference for scband-diff-dp-30039001268491 (READ-ONLY COPY).

The authoritative reference and input builder live on the scoring server;
editing this copy changes nothing except your own understanding.
"""

import jax, jax.numpy as jnp
import numpy as np

N = 4194304

def setup_inputs(seed: int = 0) -> dict:
    key = jax.random.key(seed)
    k1, k2 = jax.random.split(key)
    y_pred = jax.random.normal(k1, (N,), dtype=jnp.float32)
    s = jax.random.randint(k2, (N,), 0, 2, dtype=jnp.int32)
    return {"y_pred": y_pred, "s": s}

def reference(y_pred, s):
    y = y_pred.reshape(-1)
    s = s.reshape(-1)
    m0 = (s == 0).astype(y.dtype)
    m1 = (s == 1).astype(y.dtype)
    mean0 = jnp.sum(y * m0) / jnp.sum(m0)
    mean1 = jnp.sum(y * m1) / jnp.sum(m1)
    reg_loss = jnp.abs(mean0 - mean1)
    return reg_loss

if __name__ == "__main__":
    import jax
    _d = setup_inputs()
    print(jax.jit(kernel)(*tuple(_d.values())))

</pallas_src>

<mosaic_0001>
#map = affine_map<(d0, d1) -> (0)>
#map1 = affine_map<(d0, d1) -> (0, 0, 0)>
module attributes {stable_mosaic.version = 14 : i64} {
  func.func @_sc_partial(%arg0: i32, %arg1: i32, %arg2: memref<4194304xf32, #tpu.memory_space<hbm>>, %arg3: memref<4194304xi32, #tpu.memory_space<hbm>>, %arg4: memref<32x3x16xf32, #tpu.memory_space<hbm>>, %arg5: memref<2x16384xf32, #tpu.memory_space<vmem>>, %arg6: memref<2x16384xi32, #tpu.memory_space<vmem>>, %arg7: memref<3x16xf32, #tpu.memory_space<vmem>>, %arg8: memref<!tpu.dma_semaphore, #tpu.memory_space<semaphore_mem>>, %arg9: memref<!tpu.dma_semaphore, #tpu.memory_space<semaphore_mem>>, %arg10: memref<!tpu.dma_semaphore, #tpu.memory_space<semaphore_mem>>, %arg11: memref<!tpu.dma_semaphore, #tpu.memory_space<semaphore_mem>>) attributes {dimension_semantics = [#tpu.dimension_semantics<core_parallel>, #tpu.dimension_semantics<subcore_parallel>], iteration_bounds = array<i64: 2, 16>, scalar_prefetch = 0 : i64, scratch_operands = 7 : i64, tpu.core_type = #tpu.core_type<sc_vector_subcore>, window_params = [{transform_indices = #map}, {transform_indices = #map}, {transform_indices = #map1}]} {
    %mul3A = arith.constant 2 : i32
    %mul3A_0 = arith.muli %arg1, %mul3A : i32
    %add3A = arith.addi %mul3A_0, %arg0 : i32
    %mul3A_1 = arith.constant 65536 : i32
    %mul3A_2 = arith.muli %add3A, %mul3A_1 : i32
    %broadcast_in_dim3A = arith.constant 0.000000e+00 : f32
    %broadcast_in_dim3A_3 = vector.broadcast %broadcast_in_dim3A : f32 to vector<16xf32>
    %add3A_4 = arith.constant 0 : i32
    %add3A_5 = arith.addi %mul3A_2, %add3A_4 : i32
    %dma_start3A = arith.constant 0 : i32
    %dma_start3A_6 = arith.constant 0 : i32
    %dma_start3A_7 = tpu.memref_slice %arg5[%dma_start3A, %dma_start3A_6] : memref<2x16384xf32, #tpu.memory_space<vmem>> -> memref<1x16384xf32, #tpu.memory_space<vmem>>
    %dma_start3A_8 = tpu.memref_squeeze %dma_start3A_7 : memref<1x16384xf32, #tpu.memory_space<vmem>> -> memref<16384xf32, #tpu.memory_space<vmem>>
    %dma_start3A_9 = tpu.memref_slice %arg2[%add3A_5] : memref<4194304xf32, #tpu.memory_space<hbm>> -> memref<16384xf32, #tpu.memory_space<hbm>>
    %dma_start3A_10 = arith.constant 0 : i32
    %dma_start3A_11 = tpu.memref_slice %arg5[%dma_start3A, %dma_start3A_10] : memref<2x16384xf32, #tpu.memory_space<vmem>> -> memref<1x16384xf32, #tpu.memory_space<vmem>>
    %dma_start3A_12 = tpu.memref_squeeze %dma_start3A_11 : memref<1x16384xf32, #tpu.memory_space<vmem>> -> memref<16384xf32, #tpu.memory_space<vmem>>
    %dma_start3A_13 = tpu.memref_slice %arg2[%add3A_5] : memref<4194304xf32, #tpu.memory_space<hbm>> -> memref<16384xf32, #tpu.memory_space<hbm>>
    tpu.enqueue_dma source(%dma_start3A_13 : memref<16384xf32, #tpu.memory_space<hbm>>) target(%dma_start3A_12 : memref<16384xf32, #tpu.memory_space<vmem>>) target_semaphore(%arg8 : memref<!tpu.dma_semaphore, #tpu.memory_space<semaphore_mem>>)
    %dma_start3A_14 = arith.constant 0 : i32
    %dma_start3A_15 = arith.constant 0 : i32
    %dma_start3A_16 = tpu.memref_slice %arg6[%dma_start3A_14, %dma_start3A_15] : memref<2x16384xi32, #tpu.memory_space<vmem>> -> memref<1x16384xi32, #tpu.memory_space<vmem>>
    %dma_start3A_17 = tpu.memref_squeeze %dma_start3A_16 : memref<1x16384xi32, #tpu.memory_space<vmem>> -> memref<16384xi32, #tpu.memory_space<vmem>>
    %dma_start3A_18 = tpu.memref_slice %arg3[%add3A_5] : memref<4194304xi32, #tpu.memory_space<hbm>> -> memref<16384xi32, #tpu.memory_space<hbm>>
    %dma_start3A_19 = arith.constant 0 : i32
    %dma_start3A_20 = tpu.memref_slice %arg6[%dma_start3A_14, %dma_start3A_19] : memref<2x16384xi32, #tpu.memory_space<vmem>> -> memref<1x16384xi32, #tpu.memory_space<vmem>>
    %dma_start3A_21 = tpu.memref_squeeze %dma_start3A_20 : memref<1x16384xi32, #tpu.memory_space<vmem>> -> memref<16384xi32, #tpu.memory_space<vmem>>
    %dma_start3A_22 = tpu.memref_slice %arg3[%add3A_5] : memref<4194304xi32, #tpu.memory_space<hbm>> -> memref<16384xi32, #tpu.memory_space<hbm>>
    tpu.enqueue_dma source(%dma_start3A_22 : memref<16384xi32, #tpu.memory_space<hbm>>) target(%dma_start3A_21 : memref<16384xi32, #tpu.memory_space<vmem>>) target_semaphore(%arg10 : memref<!tpu.dma_semaphore, #tpu.memory_space<semaphore_mem>>)
    %dma_wait3A = arith.constant 0 : i32
    %dma_wait3A_23 = arith.constant 0 : i32
    %dma_wait3A_24 = tpu.memref_slice %arg5[%dma_wait3A, %dma_wait3A_23] : memref<2x16384xf32, #tpu.memory_space<vmem>> -> memref<1x16384xf32, #tpu.memory_space<vmem>>
    %dma_wait3A_25 = tpu.memref_squeeze %dma_wait3A_24 : memref<1x16384xf32, #tpu.memory_space<vmem>> -> memref<16384xf32, #tpu.memory_space<vmem>>
    %dma_wait3A_26 = tpu.memref_slice %arg2[%add3A_5] : memref<4194304xf32, #tpu.memory_space<hbm>> -> memref<16384xf32, #tpu.memory_space<hbm>>
    %dma_wait3A_27 = arith.constant 0 : i32
    %dma_wait3A_28 = tpu.memref_slice %arg5[%dma_wait3A, %dma_wait3A_27] : memref<2x16384xf32, #tpu.memory_space<vmem>> -> memref<1x16384xf32, #tpu.memory_space<vmem>>
    %dma_wait3A_29 = tpu.memref_squeeze %dma_wait3A_28 : memref<1x16384xf32, #tpu.memory_space<vmem>> -> memref<16384xf32, #tpu.memory_space<vmem>>
    %dma_wait3A_30 = tpu.memref_slice %arg2[%add3A_5] : memref<4194304xf32, #tpu.memory_space<hbm>> -> memref<16384xf32, #tpu.memory_space<hbm>>
    tpu.wait_dma2 semaphore(%arg8 : memref<!tpu.dma_semaphore, #tpu.memory_space<semaphore_mem>>) src(%dma_wait3A_30 : memref<16384xf32, #tpu.memory_space<hbm>>) dst(%dma_wait3A_29 : memref<16384xf32, #tpu.memory_space<vmem>>)
    %dma_wait3A_31 = arith.constant 0 : i32
    %dma_wait3A_32 = arith.constant 0 : i32
    %dma_wait3A_33 = tpu.memref_slice %arg6[%dma_wait3A_31, %dma_wait3A_32] : memref<2x16384xi32, #tpu.memory_space<vmem>> -> memref<1x16384xi32, #tpu.memory_space<vmem>>
    %dma_wait3A_34 = tpu.memref_squeeze %dma_wait3A_33 : memref<1x16384xi32, #tpu.memory_space<vmem>> -> memref<16384xi32, #tpu.memory_space<vmem>>
    %dma_wait3A_35 = tpu.memref_slice %arg3[%add3A_5] : memref<4194304xi32, #tpu.memory_space<hbm>> -> memref<16384xi32, #tpu.memory_space<hbm>>
    %dma_wait3A_36 = arith.constant 0 : i32
    %dma_wait3A_37 = tpu.memref_slice %arg6[%dma_wait3A_31, %dma_wait3A_36] : memref<2x16384xi32, #tpu.memory_space<vmem>> -> memref<1x16384xi32, #tpu.memory_space<vmem>>
    %dma_wait3A_38 = tpu.memref_squeeze %dma_wait3A_37 : memref<1x16384xi32, #tpu.memory_space<vmem>> -> memref<16384xi32, #tpu.memory_space<vmem>>
    %dma_wait3A_39 = tpu.memref_slice %arg3[%add3A_5] : memref<4194304xi32, #tpu.memory_space<hbm>> -> memref<16384xi32, #tpu.memory_space<hbm>>
    tpu.wait_dma2 semaphore(%arg10 : memref<!tpu.dma_semaphore, #tpu.memory_space<semaphore_mem>>) src(%dma_wait3A_39 : memref<16384xi32, #tpu.memory_space<hbm>>) dst(%dma_wait3A_38 : memref<16384xi32, #tpu.memory_space<vmem>>)
    %add3A_40 = arith.constant 16384 : i32
    %add3A_41 = arith.addi %mul3A_2, %add3A_40 : i32
    %dma_start3A_42 = arith.constant 1 : i32
    %dma_start3A_43 = arith.constant 0 : i32
    %dma_start3A_44 = tpu.memref_slice %arg5[%dma_start3A_42, %dma_start3A_43] : memref<2x16384xf32, #tpu.memory_space<vmem>> -> memref<1x16384xf32, #tpu.memory_space<vmem>>
    %dma_start3A_45 = tpu.memref_squeeze %dma_start3A_44 : memref<1x16384xf32, #tpu.memory_space<vmem>> -> memref<16384xf32, #tpu.memory_space<vmem>>
    %dma_start3A_46 = tpu.memref_slice %arg2[%add3A_41] : memref<4194304xf32, #tpu.memory_space<hbm>> -> memref<16384xf32, #tpu.memory_space<hbm>>
    %dma_start3A_47 = arith.constant 0 : i32
    %dma_start3A_48 = tpu.memref_slice %arg5[%dma_start3A_42, %dma_start3A_47] : memref<2x16384xf32, #tpu.memory_space<vmem>> -> memref<1x16384xf32, #tpu.memory_space<vmem>>
    %dma_start3A_49 = tpu.memref_squeeze %dma_start3A_48 : memref<1x16384xf32, #tpu.memory_space<vmem>> -> memref<16384xf32, #tpu.memory_space<vmem>>
    %dma_start3A_50 = tpu.memref_slice %arg2[%add3A_41] : memref<4194304xf32, #tpu.memory_space<hbm>> -> memref<16384xf32, #tpu.memory_space<hbm>>
    tpu.enqueue_dma source(%dma_start3A_50 : memref<16384xf32, #tpu.memory_space<hbm>>) target(%dma_start3A_49 : memref<16384xf32, #tpu.memory_space<vmem>>) target_semaphore(%arg9 : memref<!tpu.dma_semaphore, #tpu.memory_space<semaphore_mem>>)
    %dma_start3A_51 = arith.constant 1 : i32
    %dma_start3A_52 = arith.constant 0 : i32
    %dma_start3A_53 = tpu.memref_slice %arg6[%dma_start3A_51, %dma_start3A_52] : memref<2x16384xi32, #tpu.memory_space<vmem>> -> memref<1x16384xi32, #tpu.memory_space<vmem>>
    %dma_start3A_54 = tpu.memref_squeeze %dma_start3A_53 : memref<1x16384xi32, #tpu.memory_space<vmem>> -> memref<16384xi32, #tpu.memory_space<vmem>>
    %dma_start3A_55 = tpu.memref_slice %arg3[%add3A_41] : memref<4194304xi32, #tpu.memory_space<hbm>> -> memref<16384xi32, #tpu.memory_space<hbm>>
    %dma_start3A_56 = arith.constant 0 : i32
    %dma_start3A_57 = tpu.memref_slice %arg6[%dma_start3A_51, %dma_start3A_56] : memref<2x16384xi32, #tpu.memory_space<vmem>> -> memref<1x16384xi32, #tpu.memory_space<vmem>>
    %dma_start3A_58 = tpu.memref_squeeze %dma_start3A_57 : memref<1x16384xi32, #tpu.memory_space<vmem>> -> memref<16384xi32, #tpu.memory_space<vmem>>
    %dma_start3A_59 = tpu.memref_slice %arg3[%add3A_41] : memref<4194304xi32, #tpu.memory_space<hbm>> -> memref<16384xi32, #tpu.memory_space<hbm>>
    tpu.enqueue_dma source(%dma_start3A_59 : memref<16384xi32, #tpu.memory_space<hbm>>) target(%dma_start3A_58 : memref<16384xi32, #tpu.memory_space<vmem>>) target_semaphore(%arg11 : memref<!tpu.dma_semaphore, #tpu.memory_space<semaphore_mem>>)
    %scan3A = arith.constant 0 : i32
    %scan3A_60 = arith.constant 0 : i32
    %scan3A_61 = arith.constant 0 : i32
    %scan3A_62 = arith.constant 1024 : i32
    %scan3A_63 = arith.addi %scan3A_61, %scan3A_62 : i32
    %scan3A_64 = arith.constant 8 : i32
    %scan3A_65:3 = scf.for %scan3A_202 = %scan3A_61 to %scan3A_63 step %scan3A_64 iter_args(%scan3A_203 = %broadcast_in_dim3A_3, %scan3A_204 = %broadcast_in_dim3A_3, %scan3A_205 = %broadcast_in_dim3A_3) -> (vector<16xf32>, vector<16xf32>, vector<16xf32>)  : i32 {
      %mul3A_206 = arith.constant 16 : i32
      %mul3A_207 = arith.muli %scan3A_202, %mul3A_206 : i32
      %get3A = arith.constant 0 : i32
      %get3A_208 = tpu.memref_slice %arg5[%scan3A, %get3A] : memref<2x16384xf32, #tpu.memory_space<vmem>> -> memref<1x16384xf32, #tpu.memory_space<vmem>>
      %get3A_209 = tpu.memref_squeeze %get3A_208 : memref<1x16384xf32, #tpu.memory_space<vmem>> -> memref<16384xf32, #tpu.memory_space<vmem>>
      %get3A_210 = arith.index_cast %mul3A_207 : i32 to index
      %get3A_211 = tpu.vector_load %get3A_209[%get3A_210] {strides = array<i32>} : memref<16384xf32, #tpu.memory_space<vmem>>, vector<16xf32>,
      %get3A_212 = vector.shape_cast %get3A_211 : vector<16xf32> to vector<16xf32>
      %mul3A_213 = arith.constant 16 : i32
      %mul3A_214 = arith.muli %scan3A_202, %mul3A_213 : i32
      %get3A_215 = arith.constant 0 : i32
      %get3A_216 = tpu.memref_slice %arg6[%scan3A_60, %get3A_215] : memref<2x16384xi32, #tpu.memory_space<vmem>> -> memref<1x16384xi32, #tpu.memory_space<vmem>>
      %get3A_217 = tpu.memref_squeeze %get3A_216 : memref<1x16384xi32, #tpu.memory_space<vmem>> -> memref<16384xi32, #tpu.memory_space<vmem>>
      %get3A_218 = arith.index_cast %mul3A_214 : i32 to index
      %get3A_219 = tpu.vector_load %get3A_217[%get3A_218] {strides = array<i32>} : memref<16384xi32, #tpu.memory_space<vmem>>, vector<16xi32>,
      %get3A_220 = vector.shape_cast %get3A_219 : vector<16xi32> to vector<16xi32>
      %add3A_221 = arith.addf %scan3A_203, %get3A_212 : vector<16xf32>
      %eq3A = arith.constant 1 : i32
      %eq3A_222 = vector.broadcast %eq3A : i32 to vector<16xi32>
      %eq3A_223 = arith.cmpi eq, %get3A_220, %eq3A_222 : vector<16xi32>
      %jit3A = arith.constant 0.000000e+00 : f32
      %broadcast_in_dim3A_224 = vector.broadcast %jit3A : f32 to vector<16xf32>
      %select_n3A = arith.select %eq3A_223, %get3A_212, %broadcast_in_dim3A_224 : vector<16xi1>, vector<16xf32>
      %add3A_225 = arith.addf %scan3A_204, %select_n3A : vector<16xf32>
      %convert_element_type3A = arith.sitofp %get3A_220 : vector<16xi32> to vector<16xf32>
      %add3A_226 = arith.addf %scan3A_205, %convert_element_type3A : vector<16xf32>
      %scan3A_227 = arith.constant 1 : i32
      %scan3A_228 = arith.addi %scan3A_202, %scan3A_227 : i32
      %mul3A_229 = arith.constant 16 : i32
      %mul3A_230 = arith.muli %scan3A_228, %mul3A_229 : i32
      %get3A_231 = arith.constant 0 : i32
      %get3A_232 = tpu.memref_slice %arg5[%scan3A, %get3A_231] : memref<2x16384xf32, #tpu.memory_space<vmem>> -> memref<1x16384xf32, #tpu.memory_space<vmem>>
      %get3A_233 = tpu.memref_squeeze %get3A_232 : memref<1x16384xf32, #tpu.memory_space<vmem>> -> memref<16384xf32, #tpu.memory_space<vmem>>
      %get3A_234 = arith.index_cast %mul3A_230 : i32 to index
      %get3A_235 = tpu.vector_load %get3A_233[%get3A_234] {strides = array<i32>} : memref<16384xf32, #tpu.memory_space<vmem>>, vector<16xf32>,
      %get3A_236 = vector.shape_cast %get3A_235 : vector<16xf32> to vector<16xf32>
      %mul3A_237 = arith.constant 16 : i32
      %mul3A_238 = arith.muli %scan3A_228, %mul3A_237 : i32
      %get3A_239 = arith.constant 0 : i32
      %get3A_240 = tpu.memref_slice %arg6[%scan3A_60, %get3A_239] : memref<2x16384xi32, #tpu.memory_space<vmem>> -> memref<1x16384xi32, #tpu.memory_space<vmem>>
      %get3A_241 = tpu.memref_squeeze %get3A_240 : memref<1x16384xi32, #tpu.memory_space<vmem>> -> memref<16384xi32, #tpu.memory_space<vmem>>
      %get3A_242 = arith.index_cast %mul3A_238 : i32 to index
      %get3A_243 = tpu.vector_load %get3A_241[%get3A_242] {strides = array<i32>} : memref<16384xi32, #tpu.memory_space<vmem>>, vector<16xi32>,
      %get3A_244 = vector.shape_cast %get3A_243 : vector<16xi32> to vector<16xi32>
      %add3A_245 = arith.addf %add3A_221, %get3A_236 : vector<16xf32>
      %eq3A_246 = arith.constant 1 : i32
      %eq3A_247 = vector.broadcast %eq3A_246 : i32 to vector<16xi32>
      %eq3A_248 = arith.cmpi eq, %get3A_244, %eq3A_247 : vector<16xi32>
      %jit3A_249 = arith.constant 0.000000e+00 : f32
      %broadcast_in_dim3A_250 = vector.broadcast %jit3A_249 : f32 to vector<16xf32>
      %select_n3A_251 = arith.select %eq3A_248, %get3A_236, %broadcast_in_dim3A_250 : vector<16xi1>, vector<16xf32>
      %add3A_252 = arith.addf %add3A_225, %select_n3A_251 : vector<16xf32>
      %convert_element_type3A_253 = arith.sitofp %get3A_244 : vector<16xi32> to vector<16xf32>
      %add3A_254 = arith.addf %add3A_226, %convert_element_type3A_253 : vector<16xf32>
      %scan3A_255 = arith.constant 2 : i32
      %scan3A_256 = arith.addi %scan3A_202, %scan3A_255 : i32
      %mul3A_257 = arith.constant 16 : i32
      %mul3A_258 = arith.muli %scan3A_256, %mul3A_257 : i32
      %get3A_259 = arith.constant 0 : i32
      %get3A_260 = tpu.memref_slice %arg5[%scan3A, %get3A_259] : memref<2x16384xf32, #tpu.memory_space<vmem>> -> memref<1x16384xf32, #tpu.memory_space<vmem>>
      %get3A_261 = tpu.memref_squeeze %get3A_260 : memref<1x16384xf32, #tpu.memory_space<vmem>> -> memref<16384xf32, #tpu.memory_space<vmem>>
      %get3A_262 = arith.index_cast %mul3A_258 : i32 to index
      %get3A_263 = tpu.vector_load %get3A_261[%get3A_262] {strides = array<i32>} : memref<16384xf32, #tpu.memory_space<vmem>>, vector<16xf32>,
      %get3A_264 = vector.shape_cast %get3A_263 : vector<16xf32> to vector<16xf32>
      %mul3A_265 = arith.constant 16 : i32
      %mul3A_266 = arith.muli %scan3A_256, %mul3A_265 : i32
      %get3A_267 = arith.constant 0 : i32
      %get3A_268 = tpu.memref_slice %arg6[%scan3A_60, %get3A_267] : memref<2x16384xi32, #tpu.memory_space<vmem>> -> memref<1x16384xi32, #tpu.memory_space<vmem>>
      %get3A_269 = tpu.memref_squeeze %get3A_268 : memref<1x16384xi32, #tpu.memory_space<vmem>> -> memref<16384xi32, #tpu.memory_space<vmem>>
      %get3A_270 = arith.index_cast %mul3A_266 : i32 to index
      %get3A_271 = tpu.vector_load %get3A_269[%get3A_270] {strides = array<i32>} : memref<16384xi32, #tpu.memory_space<vmem>>, vector<16xi32>,
      %get3A_272 = vector.shape_cast %get3A_271 : vector<16xi32> to vector<16xi32>
      %add3A_273 = arith.addf %add3A_245, %get3A_264 : vector<16xf32>
      %eq3A_274 = arith.constant 1 : i32
      %eq3A_275 = vector.broadcast %eq3A_274 : i32 to vector<16xi32>
      %eq3A_276 = arith.cmpi eq, %get3A_272, %eq3A_275 : vector<16xi32>
      %jit3A_277 = arith.constant 0.000000e+00 : f32
      %broadcast_in_dim3A_278 = vector.broadcast %jit3A_277 : f32 to vector<16xf32>
      %select_n3A_279 = arith.select %eq3A_276, %get3A_264, %broadcast_in_dim3A_278 : vector<16xi1>, vector<16xf32>
      %add3A_280 = arith.addf %add3A_252, %select_n3A_279 : vector<16xf32>
      %convert_element_type3A_281 = arith.sitofp %get3A_272 : vector<16xi32> to vector<16xf32>
      %add3A_282 = arith.addf %add3A_254, %convert_element_type3A_281 : vector<16xf32>
      %scan3A_283 = arith.constant 3 : i32
      %scan3A_284 = arith.addi %scan3A_202, %scan3A_283 : i32
      %mul3A_285 = arith.constant 16 : i32
      %mul3A_286 = arith.muli %scan3A_284, %mul3A_285 : i32
      %get3A_287 = arith.constant 0 : i32
      %get3A_288 = tpu.memref_slice %arg5[%scan3A, %get3A_287] : memref<2x16384xf32, #tpu.memory_space<vmem>> -> memref<1x16384xf32, #tpu.memory_space<vmem>>
      %get3A_289 = tpu.memref_squeeze %get3A_288 : memref<1x16384xf32, #tpu.memory_space<vmem>> -> memref<16384xf32, #tpu.memory_space<vmem>>
      %get3A_290 = arith.index_cast %mul3A_286 : i32 to index
      %get3A_291 = tpu.vector_load %get3A_289[%get3A_290] {strides = array<i32>} : memref<16384xf32, #tpu.memory_space<vmem>>, vector<16xf32>,
      %get3A_292 = vector.shape_cast %get3A_291 : vector<16xf32> to vector<16xf32>
      %mul3A_293 = arith.constant 16 : i32
      %mul3A_294 = arith.muli %scan3A_284, %mul3A_293 : i32
      %get3A_295 = arith.constant 0 : i32
      %get3A_296 = tpu.memref_slice %arg6[%scan3A_60, %get3A_295] : memref<2x16384xi32, #tpu.memory_space<vmem>> -> memref<1x16384xi32, #tpu.memory_space<vmem>>
      %get3A_297 = tpu.memref_squeeze %get3A_296 : memref<1x16384xi32, #tpu.memory_space<vmem>> -> memref<16384xi32, #tpu.memory_space<vmem>>
      %get3A_298 = arith.index_cast %mul3A_294 : i32 to index
      %get3A_299 = tpu.vector_load %get3A_297[%get3A_298] {strides = array<i32>} : memref<16384xi32, #tpu.memory_space<vmem>>, vector<16xi32>,
      %get3A_300 = vector.shape_cast %get3A_299 : vector<16xi32> to vector<16xi32>
      %add3A_301 = arith.addf %add3A_273, %get3A_292 : vector<16xf32>
      %eq3A_302 = arith.constant 1 : i32
      %eq3A_303 = vector.broadcast %eq3A_302 : i32 to vector<16xi32>
      %eq3A_304 = arith.cmpi eq, %get3A_300, %eq3A_303 : vector<16xi32>
      %jit3A_305 = arith.constant 0.000000e+00 : f32
      %broadcast_in_dim3A_306 = vector.broadcast %jit3A_305 : f32 to vector<16xf32>
      %select_n3A_307 = arith.select %eq3A_304, %get3A_292, %broadcast_in_dim3A_306 : vector<16xi1>, vector<16xf32>
      %add3A_308 = arith.addf %add3A_280, %select_n3A_307 : vector<16xf32>
      %convert_element_type3A_309 = arith.sitofp %get3A_300 : vector<16xi32> to vector<16xf32>
      %add3A_310 = arith.addf %add3A_282, %convert_element_type3A_309 : vector<16xf32>
      %scan3A_311 = arith.constant 4 : i32
      %scan3A_312 = arith.addi %scan3A_202, %scan3A_311 : i32
      %mul3A_313 = arith.constant 16 : i32
      %mul3A_314 = arith.muli %scan3A_312, %mul3A_313 : i32
      %get3A_315 = arith.constant 0 : i32
      %get3A_316 = tpu.memref_slice %arg5[%scan3A, %get3A_315] : memref<2x16384xf32, #tpu.memory_space<vmem>> -> memref<1x16384xf32, #tpu.memory_space<vmem>>
      %get3A_317 = tpu.memref_squeeze %get3A_316 : memref<1x16384xf32, #tpu.memory_space<vmem>> -> memref<16384xf32, #tpu.memory_space<vmem>>
      %get3A_318 = arith.index_cast %mul3A_314 : i32 to index
      %get3A_319 = tpu.vector_load %get3A_317[%get3A_318] {strides = array<i32>} : memref<16384xf32, #tpu.memory_space<vmem>>, vector<16xf32>,
      %get3A_320 = vector.shape_cast %get3A_319 : vector<16xf32> to vector<16xf32>
      %mul3A_321 = arith.constant 16 : i32
      %mul3A_322 = arith.muli %scan3A_312, %mul3A_321 : i32
      %get3A_323 = arith.constant 0 : i32
      %get3A_324 = tpu.memref_slice %arg6[%scan3A_60, %get3A_323] : memref<2x16384xi32, #tpu.memory_space<vmem>> -> memref<1x16384xi32, #tpu.memory_space<vmem>>
      %get3A_325 = tpu.memref_squeeze %get3A_324 : memref<1x16384xi32, #tpu.memory_space<vmem>> -> memref<16384xi32, #tpu.memory_space<vmem>>
      %get3A_326 = arith.index_cast %mul3A_322 : i32 to index
      %get3A_327 = tpu.vector_load %get3A_325[%get3A_326] {strides = array<i32>} : memref<16384xi32, #tpu.memory_space<vmem>>, vector<16xi32>,
      %get3A_328 = vector.shape_cast %get3A_327 : vector<16xi32> to vector<16xi32>
      %add3A_329 = arith.addf %add3A_301, %get3A_320 : vector<16xf32>
      %eq3A_330 = arith.constant 1 : i32
      %eq3A_331 = vector.broadcast %eq3A_330 : i32 to vector<16xi32>
      %eq3A_332 = arith.cmpi eq, %get3A_328, %eq3A_331 : vector<16xi32>
      %jit3A_333 = arith.constant 0.000000e+00 : f32
      %broadcast_in_dim3A_334 = vector.broadcast %jit3A_333 : f32 to vector<16xf32>
      %select_n3A_335 = arith.select %eq3A_332, %get3A_320, %broadcast_in_dim3A_334 : vector<16xi1>, vector<16xf32>
      %add3A_336 = arith.addf %add3A_308, %select_n3A_335 : vector<16xf32>
      %convert_element_type3A_337 = arith.sitofp %get3A_328 : vector<16xi32> to vector<16xf32>
      %add3A_338 = arith.addf %add3A_310, %convert_element_type3A_337 : vector<16xf32>
      %scan3A_339 = arith.constant 5 : i32
      %scan3A_340 = arith.addi %scan3A_202, %scan3A_339 : i32
      %mul3A_341 = arith.constant 16 : i32
      %mul3A_342 = arith.muli %scan3A_340, %mul3A_341 : i32
      %get3A_343 = arith.constant 0 : i32
      %get3A_344 = tpu.memref_slice %arg5[%scan3A, %get3A_343] : memref<2x16384xf32, #tpu.memory_space<vmem>> -> memref<1x16384xf32, #tpu.memory_space<vmem>>
      %get3A_345 = tpu.memref_squeeze %get3A_344 : memref<1x16384xf32, #tpu.memory_space<vmem>> -> memref<16384xf32, #tpu.memory_space<vmem>>
      %get3A_346 = arith.index_cast %mul3A_342 : i32 to index
      %get3A_347 = tpu.vector_load %get3A_345[%get3A_346] {strides = array<i32>} : memref<16384xf32, #tpu.memory_space<vmem>>, vector<16xf32>,
      %get3A_348 = vector.shape_cast %get3A_347 : vector<16xf32> to vector<16xf32>
      %mul3A_349 = arith.constant 16 : i32
      %mul3A_350 = arith.muli %scan3A_340, %mul3A_349 : i32
      %get3A_351 = arith.constant 0 : i32
      %get3A_352 = tpu.memref_slice %arg6[%scan3A_60, %get3A_351] : memref<2x16384xi32, #tpu.memory_space<vmem>> -> memref<1x16384xi32, #tpu.memory_space<vmem>>
      %get3A_353 = tpu.memref_squeeze %get3A_352 : memref<1x16384xi32, #tpu.memory_space<vmem>> -> memref<16384xi32, #tpu.memory_space<vmem>>
      %get3A_354 = arith.index_cast %mul3A_350 : i32 to index
      %get3A_355 = tpu.vector_load %get3A_353[%get3A_354] {strides = array<i32>} : memref<16384xi32, #tpu.memory_space<vmem>>, vector<16xi32>,
      %get3A_356 = vector.shape_cast %get3A_355 : vector<16xi32> to vector<16xi32>
      %add3A_357 = arith.addf %add3A_329, %get3A_348 : vector<16xf32>
      %eq3A_358 = arith.constant 1 : i32
      %eq3A_359 = vector.broadcast %eq3A_358 : i32 to vector<16xi32>
      %eq3A_360 = arith.cmpi eq, %get3A_356, %eq3A_359 : vector<16xi32>
      %jit3A_361 = arith.constant 0.000000e+00 : f32
      %broadcast_in_dim3A_362 = vector.broadcast %jit3A_361 : f32 to vector<16xf32>
      %select_n3A_363 = arith.select %eq3A_360, %get3A_348, %broadcast_in_dim3A_362 : vector<16xi1>, vector<16xf32>
      %add3A_364 = arith.addf %add3A_336, %select_n3A_363 : vector<16xf32>
      %convert_element_type3A_365 = arith.sitofp %get3A_356 : vector<16xi32> to vector<16xf32>
      %add3A_366 = arith.addf %add3A_338, %convert_element_type3A_365 : vector<16xf32>
      %scan3A_367 = arith.constant 6 : i32
      %scan3A_368 = arith.addi %scan3A_202, %scan3A_367 : i32
      %mul3A_369 = arith.constant 16 : i32
      %mul3A_370 = arith.muli %scan3A_368, %mul3A_369 : i32
      %get3A_371 = arith.constant 0 : i32
      %get3A_372 = tpu.memref_slice %arg5[%scan3A, %get3A_371] : memref<2x16384xf32, #tpu.memory_space<vmem>> -> memref<1x16384xf32, #tpu.memory_space<vmem>>
      %get3A_373 = tpu.memref_squeeze %get3A_372 : memref<1x16384xf32, #tpu.memory_space<vmem>> -> memref<16384xf32, #tpu.memory_space<vmem>>
      %get3A_374 = arith.index_cast %mul3A_370 : i32 to index
      %get3A_375 = tpu.vector_load %get3A_373[%get3A_374] {strides = array<i32>} : memref<16384xf32, #tpu.memory_space<vmem>>, vector<16xf32>,
      %get3A_376 = vector.shape_cast %get3A_375 : vector<16xf32> to vector<16xf32>
      %mul3A_377 = arith.constant 16 : i32
      %mul3A_378 = arith.muli %scan3A_368, %mul3A_377 : i32
      %get3A_379 = arith.constant 0 : i32
      %get3A_380 = tpu.memref_slice %arg6[%scan3A_60, %get3A_379] : memref<2x16384xi32, #tpu.memory_space<vmem>> -> memref<1x16384xi32, #tpu.memory_space<vmem>>
      %get3A_381 = tpu.memref_squeeze %get3A_380 : memref<1x16384xi32, #tpu.memory_space<vmem>> -> memref<16384xi32, #tpu.memory_space<vmem>>
      %get3A_382 = arith.index_cast %mul3A_378 : i32 to index
      %get3A_383 = tpu.vector_load %get3A_381[%get3A_382] {strides = array<i32>} : memref<16384xi32, #tpu.memory_space<vmem>>, vector<16xi32>,
      %get3A_384 = vector.shape_cast %get3A_383 : vector<16xi32> to vector<16xi32>
      %add3A_385 = arith.addf %add3A_357, %get3A_376 : vector<16xf32>
      %eq3A_386 = arith.constant 1 : i32
      %eq3A_387 = vector.broadcast %eq3A_386 : i32 to vector<16xi32>
      %eq3A_388 = arith.cmpi eq, %get3A_384, %eq3A_387 : vector<16xi32>
      %jit3A_389 = arith.constant 0.000000e+00 : f32
      %broadcast_in_dim3A_390 = vector.broadcast %jit3A_389 : f32 to vector<16xf32>
      %select_n3A_391 = arith.select %eq3A_388, %get3A_376, %broadcast_in_dim3A_390 : vector<16xi1>, vector<16xf32>
      %add3A_392 = arith.addf %add3A_364, %select_n3A_391 : vector<16xf32>
      %convert_element_type3A_393 = arith.sitofp %get3A_384 : vector<16xi32> to vector<16xf32>
      %add3A_394 = arith.addf %add3A_366, %convert_element_type3A_393 : vector<16xf32>
      %scan3A_395 = arith.constant 7 : i32
      %scan3A_396 = arith.addi %scan3A_202, %scan3A_395 : i32
      %mul3A_397 = arith.constant 16 : i32
      %mul3A_398 = arith.muli %scan3A_396, %mul3A_397 : i32
      %get3A_399 = arith.constant 0 : i32
      %get3A_400 = tpu.memref_slice %arg5[%scan3A, %get3A_399] : memref<2x16384xf32, #tpu.memory_space<vmem>> -> memref<1x16384xf32, #tpu.memory_space<vmem>>
      %get3A_401 = tpu.memref_squeeze %get3A_400 : memref<1x16384xf32, #tpu.memory_space<vmem>> -> memref<16384xf32, #tpu.memory_space<vmem>>
      %get3A_402 = arith.index_cast %mul3A_398 : i32 to index
      %get3A_403 = tpu.vector_load %get3A_401[%get3A_402] {strides = array<i32>} : memref<16384xf32, #tpu.memory_space<vmem>>, vector<16xf32>,
      %get3A_404 = vector.shape_cast %get3A_403 : vector<16xf32> to vector<16xf32>
      %mul3A_405 = arith.constant 16 : i32
      %mul3A_406 = arith.muli %scan3A_396, %mul3A_405 : i32
      %get3A_407 = arith.constant 0 : i32
      %get3A_408 = tpu.memref_slice %arg6[%scan3A_60, %get3A_407] : memref<2x16384xi32, #tpu.memory_space<vmem>> -> memref<1x16384xi32, #tpu.memory_space<vmem>>
      %get3A_409 = tpu.memref_squeeze %get3A_408 : memref<1x16384xi32, #tpu.memory_space<vmem>> -> memref<16384xi32, #tpu.memory_space<vmem>>
      %get3A_410 = arith.index_cast %mul3A_406 : i32 to index
      %get3A_411 = tpu.vector_load %get3A_409[%get3A_410] {strides = array<i32>} : memref<16384xi32, #tpu.memory_space<vmem>>, vector<16xi32>,
      %get3A_412 = vector.shape_cast %get3A_411 : vector<16xi32> to vector<16xi32>
      %add3A_413 = arith.addf %add3A_385, %get3A_404 : vector<16xf32>
      %eq3A_414 = arith.constant 1 : i32
      %eq3A_415 = vector.broadcast %eq3A_414 : i32 to vector<16xi32>
      %eq3A_416 = arith.cmpi eq, %get3A_412, %eq3A_415 : vector<16xi32>
      %jit3A_417 = arith.constant 0.000000e+00 : f32
      %broadcast_in_dim3A_418 = vector.broadcast %jit3A_417 : f32 to vector<16xf32>
      %select_n3A_419 = arith.select %eq3A_416, %get3A_404, %broadcast_in_dim3A_418 : vector<16xi1>, vector<16xf32>
      %add3A_420 = arith.addf %add3A_392, %select_n3A_419 : vector<16xf32>
      %convert_element_type3A_421 = arith.sitofp %get3A_412 : vector<16xi32> to vector<16xf32>
      %add3A_422 = arith.addf %add3A_394, %convert_element_type3A_421 : vector<16xf32>
      scf.yield %add3A_413, %add3A_420, %add3A_422 : vector<16xf32>, vector<16xf32>, vector<16xf32>
    }
    %scan3A_66 = arith.constant 1024 : i32
    %dma_wait3A_67 = arith.constant 1 : i32
    %dma_wait3A_68 = arith.constant 0 : i32
    %dma_wait3A_69 = tpu.memref_slice %arg5[%dma_wait3A_67, %dma_wait3A_68] : memref<2x16384xf32, #tpu.memory_space<vmem>> -> memref<1x16384xf32, #tpu.memory_space<vmem>>
    %dma_wait3A_70 = tpu.memref_squeeze %dma_wait3A_69 : memref<1x16384xf32, #tpu.memory_space<vmem>> -> memref<16384xf32, #tpu.memory_space<vmem>>
    %dma_wait3A_71 = tpu.memref_slice %arg2[%add3A_41] : memref<4194304xf32, #tpu.memory_space<hbm>> -> memref<16384xf32, #tpu.memory_space<hbm>>
    %dma_wait3A_72 = arith.constant 0 : i32
    %dma_wait3A_73 = tpu.memref_slice %arg5[%dma_wait3A_67, %dma_wait3A_72] : memref<2x16384xf32, #tpu.memory_space<vmem>> -> memref<1x16384xf32, #tpu.memory_space<vmem>>
    %dma_wait3A_74 = tpu.memref_squeeze %dma_wait3A_73 : memref<1x16384xf32, #tpu.memory_space<vmem>> -> memref<16384xf32, #tpu.memory_space<vmem>>
    %dma_wait3A_75 = tpu.memref_slice %arg2[%add3A_41] : memref<4194304xf32, #tpu.memory_space<hbm>> -> memref<16384xf32, #tpu.memory_space<hbm>>
    tpu.wait_dma2 semaphore(%arg9 : memref<!tpu.dma_semaphore, #tpu.memory_space<semaphore_mem>>) src(%dma_wait3A_75 : memref<16384xf32, #tpu.memory_space<hbm>>) dst(%dma_wait3A_74 : memref<16384xf32, #tpu.memory_space<vmem>>)
    %dma_wait3A_76 = arith.constant 1 : i32
    %dma_wait3A_77 = arith.constant 0 : i32
    %dma_wait3A_78 = tpu.memref_slice %arg6[%dma_wait3A_76, %dma_wait3A_77] : memref<2x16384xi32, #tpu.memory_space<vmem>> -> memref<1x16384xi32, #tpu.memory_space<vmem>>
    %dma_wait3A_79 = tpu.memref_squeeze %dma_wait3A_78 : memref<1x16384xi32, #tpu.memory_space<vmem>> -> memref<16384xi32, #tpu.memory_space<vmem>>
    %dma_wait3A_80 = tpu.memref_slice %arg3[%add3A_41] : memref<4194304xi32, #tpu.memory_space<hbm>> -> memref<16384xi32, #tpu.memory_space<hbm>>
    %dma_wait3A_81 = arith.constant 0 : i32
    %dma_wait3A_82 = tpu.memref_slice %arg6[%dma_wait3A_76, %dma_wait3A_81] : memref<2x16384xi32, #tpu.memory_space<vmem>> -> memref<1x16384xi32, #tpu.memory_space<vmem>>
    %dma_wait3A_83 = tpu.memref_squeeze %dma_wait3A_82 : memref<1x16384xi32, #tpu.memory_space<vmem>> -> memref<16384xi32, #tpu.memory_space<vmem>>
    %dma_wait3A_84 = tpu.memref_slice %arg3[%add3A_41] : memref<4194304xi32, #tpu.memory_space<hbm>> -> memref<16384xi32, #tpu.memory_space<hbm>>
    tpu.wait_dma2 semaphore(%arg11 : memref<!tpu.dma_semaphore, #tpu.memory_space<semaphore_mem>>) src(%dma_wait3A_84 : memref<16384xi32, #tpu.memory_space<hbm>>) dst(%dma_wait3A_83 : memref<16384xi32, #tpu.memory_space<vmem>>)
    %add3A_85 = arith.constant 32768 : i32
    %add3A_86 = arith.addi %mul3A_2, %add3A_85 : i32
    %dma_start3A_87 = arith.constant 0 : i32
    %dma_start3A_88 = arith.constant 0 : i32
    %dma_start3A_89 = tpu.memref_slice %arg5[%dma_start3A_87, %dma_start3A_88] : memref<2x16384xf32, #tpu.memory_space<vmem>> -> memref<1x16384xf32, #tpu.memory_space<vmem>>
    %dma_start3A_90 = tpu.memref_squeeze %dma_start3A_89 : memref<1x16384xf32, #tpu.memory_space<vmem>> -> memref<16384xf32, #tpu.memory_space<vmem>>
    %dma_start3A_91 = tpu.memref_slice %arg2[%add3A_86] : memref<4194304xf32, #tpu.memory_space<hbm>> -> memref<16384xf32, #tpu.memory_space<hbm>>
    %dma_start3A_92 = arith.constant 0 : i32
    %dma_start3A_93 = tpu.memref_slice %arg5[%dma_start3A_87, %dma_start3A_92] : memref<2x16384xf32, #tpu.memory_space<vmem>> -> memref<1x16384xf32, #tpu.memory_space<vmem>>
    %dma_start3A_94 = tpu.memref_squeeze %dma_start3A_93 : memref<1x16384xf32, #tpu.memory_space<vmem>> -> memref<16384xf32, #tpu.memory_space<vmem>>
    %dma_start3A_95 = tpu.memref_slice %arg2[%add3A_86] : memref<4194304xf32, #tpu.memory_space<hbm>> -> memref<16384xf32, #tpu.memory_space<hbm>>
    tpu.enqueue_dma source(%dma_start3A_95 : memref<16384xf32, #tpu.memory_space<hbm>>) target(%dma_start3A_94 : memref<16384xf32, #tpu.memory_space<vmem>>) target_semaphore(%arg8 : memref<!tpu.dma_semaphore, #tpu.memory_space<semaphore_mem>>)
    %dma_start3A_96 = arith.constant 0 : i32
    %dma_start3A_97 = arith.constant 0 : i32
    %dma_start3A_98 = tpu.memref_slice %arg6[%dma_start3A_96, %dma_start3A_97] : memref<2x16384xi32, #tpu.memory_space<vmem>> -> memref<1x16384xi32, #tpu.memory_space<vmem>>
    %dma_start3A_99 = tpu.memref_squeeze %dma_start3A_98 : memref<1x16384xi32, #tpu.memory_space<vmem>> -> memref<16384xi32, #tpu.memory_space<vmem>>
    %dma_start3A_100 = tpu.memref_slice %arg3[%add3A_86] : memref<4194304xi32, #tpu.memory_space<hbm>> -> memref<16384xi32, #tpu.memory_space<hbm>>
    %dma_start3A_101 = arith.constant 0 : i32
    %dma_start3A_102 = tpu.memref_slice %arg6[%dma_start3A_96, %dma_start3A_101] : memref<2x16384xi32, #tpu.memory_space<vmem>> -> memref<1x16384xi32, #tpu.memory_space<vmem>>
    %dma_start3A_103 = tpu.memref_squeeze %dma_start3A_102 : memref<1x16384xi32, #tpu.memory_space<vmem>> -> memref<16384xi32, #tpu.memory_space<vmem>>
    %dma_start3A_104 = tpu.memref_slice %arg3[%add3A_86] : memref<4194304xi32, #tpu.memory_space<hbm>> -> memref<16384xi32, #tpu.memory_space<hbm>>
    tpu.enqueue_dma source(%dma_start3A_104 : memref<16384xi32, #tpu.memory_space<hbm>>) target(%dma_start3A_103 : memref<16384xi32, #tpu.memory_space<vmem>>) target_semaphore(%arg10 : memref<!tpu.dma_semaphore, #tpu.memory_space<semaphore_mem>>)
    %scan3A_105 = arith.constant 1 : i32
    %scan3A_106 = arith.constant 1 : i32
    %scan3A_107 = arith.constant 0 : i32
    %scan3A_108 = arith.constant 1024 : i32
    %scan3A_109 = arith.addi %scan3A_107, %scan3A_108 : i32
    %scan3A_110 = arith.constant 8 : i32
    %scan3A_111:3 = scf.for %scan3A_202 = %scan3A_107 to %scan3A_109 step %scan3A_110 iter_args(%scan3A_203 = %scan3A_65#0, %scan3A_204 = %scan3A_65#1, %scan3A_205 = %scan3A_65#2) -> (vector<16xf32>, vector<16xf32>, vector<16xf32>)  : i32 {
      %mul3A_206 = arith.constant 16 : i32
      %mul3A_207 = arith.muli %scan3A_202, %mul3A_206 : i32
      %get3A = arith.constant 0 : i32
      %get3A_208 = tpu.memref_slice %arg5[%scan3A_105, %get3A] : memref<2x16384xf32, #tpu.memory_space<vmem>> -> memref<1x16384xf32, #tpu.memory_space<vmem>>
      %get3A_209 = tpu.memref_squeeze %get3A_208 : memref<1x16384xf32, #tpu.memory_space<vmem>> -> memref<16384xf32, #tpu.memory_space<vmem>>
      %get3A_210 = arith.index_cast %mul3A_207 : i32 to index
      %get3A_211 = tpu.vector_load %get3A_209[%get3A_210] {strides = array<i32>} : memref<16384xf32, #tpu.memory_space<vmem>>, vector<16xf32>,
      %get3A_212 = vector.shape_cast %get3A_211 : vector<16xf32> to vector<16xf32>
      %mul3A_213 = arith.constant 16 : i32
      %mul3A_214 = arith.muli %scan3A_202, %mul3A_213 : i32
      %get3A_215 = arith.constant 0 : i32
      %get3A_216 = tpu.memref_slice %arg6[%scan3A_106, %get3A_215] : memref<2x16384xi32, #tpu.memory_space<vmem>> -> memref<1x16384xi32, #tpu.memory_space<vmem>>
      %get3A_217 = tpu.memref_squeeze %get3A_216 : memref<1x16384xi32, #tpu.memory_space<vmem>> -> memref<16384xi32, #tpu.memory_space<vmem>>
      %get3A_218 = arith.index_cast %mul3A_214 : i32 to index
      %get3A_219 = tpu.vector_load %get3A_217[%get3A_218] {strides = array<i32>} : memref<16384xi32, #tpu.memory_space<vmem>>, vector<16xi32>,
      %get3A_220 = vector.shape_cast %get3A_219 : vector<16xi32> to vector<16xi32>
      %add3A_221 = arith.addf %scan3A_203, %get3A_212 : vector<16xf32>
      %eq3A = arith.constant 1 : i32
      %eq3A_222 = vector.broadcast %eq3A : i32 to vector<16xi32>
      %eq3A_223 = arith.cmpi eq, %get3A_220, %eq3A_222 : vector<16xi32>
      %jit3A = arith.constant 0.000000e+00 : f32
      %broadcast_in_dim3A_224 = vector.broadcast %jit3A : f32 to vector<16xf32>
      %select_n3A = arith.select %eq3A_223, %get3A_212, %broadcast_in_dim3A_224 : vector<16xi1>, vector<16xf32>
      %add3A_225 = arith.addf %scan3A_204, %select_n3A : vector<16xf32>
      %convert_element_type3A = arith.sitofp %get3A_220 : vector<16xi32> to vector<16xf32>
      %add3A_226 = arith.addf %scan3A_205, %convert_element_type3A : vector<16xf32>
      %scan3A_227 = arith.constant 1 : i32
      %scan3A_228 = arith.addi %scan3A_202, %scan3A_227 : i32
      %mul3A_229 = arith.constant 16 : i32
      %mul3A_230 = arith.muli %scan3A_228, %mul3A_229 : i32
      %get3A_231 = arith.constant 0 : i32
      %get3A_232 = tpu.memref_slice %arg5[%scan3A_105, %get3A_231] : memref<2x16384xf32, #tpu.memory_space<vmem>> -> memref<1x16384xf32, #tpu.memory_space<vmem>>
      %get3A_233 = tpu.memref_squeeze %get3A_232 : memref<1x16384xf32, #tpu.memory_space<vmem>> -> memref<16384xf32, #tpu.memory_space<vmem>>
      %get3A_234 = arith.index_cast %mul3A_230 : i32 to index
      %get3A_235 = tpu.vector_load %get3A_233[%get3A_234] {strides = array<i32>} : memref<16384xf32, #tpu.memory_space<vmem>>, vector<16xf32>,
      %get3A_236 = vector.shape_cast %get3A_235 : vector<16xf32> to vector<16xf32>
      %mul3A_237 = arith.constant 16 : i32
      %mul3A_238 = arith.muli %scan3A_228, %mul3A_237 : i32
      %get3A_239 = arith.constant 0 : i32
      %get3A_240 = tpu.memref_slice %arg6[%scan3A_106, %get3A_239] : memref<2x16384xi32, #tpu.memory_space<vmem>> -> memref<1x16384xi32, #tpu.memory_space<vmem>>
      %get3A_241 = tpu.memref_squeeze %get3A_240 : memref<1x16384xi32, #tpu.memory_space<vmem>> -> memref<16384xi32, #tpu.memory_space<vmem>>
      %get3A_242 = arith.index_cast %mul3A_238 : i32 to index
      %get3A_243 = tpu.vector_load %get3A_241[%get3A_242] {strides = array<i32>} : memref<16384xi32, #tpu.memory_space<vmem>>, vector<16xi32>,
      %get3A_244 = vector.shape_cast %get3A_243 : vector<16xi32> to vector<16xi32>
      %add3A_245 = arith.addf %add3A_221, %get3A_236 : vector<16xf32>
      %eq3A_246 = arith.constant 1 : i32
      %eq3A_247 = vector.broadcast %eq3A_246 : i32 to vector<16xi32>
      %eq3A_248 = arith.cmpi eq, %get3A_244, %eq3A_247 : vector<16xi32>
      %jit3A_249 = arith.constant 0.000000e+00 : f32
      %broadcast_in_dim3A_250 = vector.broadcast %jit3A_249 : f32 to vector<16xf32>
      %select_n3A_251 = arith.select %eq3A_248, %get3A_236, %broadcast_in_dim3A_250 : vector<16xi1>, vector<16xf32>
      %add3A_252 = arith.addf %add3A_225, %select_n3A_251 : vector<16xf32>
      %convert_element_type3A_253 = arith.sitofp %get3A_244 : vector<16xi32> to vector<16xf32>
      %add3A_254 = arith.addf %add3A_226, %convert_element_type3A_253 : vector<16xf32>
      %scan3A_255 = arith.constant 2 : i32
      %scan3A_256 = arith.addi %scan3A_202, %scan3A_255 : i32
      %mul3A_257 = arith.constant 16 : i32
      %mul3A_258 = arith.muli %scan3A_256, %mul3A_257 : i32
      %get3A_259 = arith.constant 0 : i32
      %get3A_260 = tpu.memref_slice %arg5[%scan3A_105, %get3A_259] : memref<2x16384xf32, #tpu.memory_space<vmem>> -> memref<1x16384xf32, #tpu.memory_space<vmem>>
      %get3A_261 = tpu.memref_squeeze %get3A_260 : memref<1x16384xf32, #tpu.memory_space<vmem>> -> memref<16384xf32, #tpu.memory_space<vmem>>
      %get3A_262 = arith.index_cast %mul3A_258 : i32 to index
      %get3A_263 = tpu.vector_load %get3A_261[%get3A_262] {strides = array<i32>} : memref<16384xf32, #tpu.memory_space<vmem>>, vector<16xf32>,
      %get3A_264 = vector.shape_cast %get3A_263 : vector<16xf32> to vector<16xf32>
      %mul3A_265 = arith.constant 16 : i32
      %mul3A_266 = arith.muli %scan3A_256, %mul3A_265 : i32
      %get3A_267 = arith.constant 0 : i32
      %get3A_268 = tpu.memref_slice %arg6[%scan3A_106, %get3A_267] : memref<2x16384xi32, #tpu.memory_space<vmem>> -> memref<1x16384xi32, #tpu.memory_space<vmem>>
      %get3A_269 = tpu.memref_squeeze %get3A_268 : memref<1x16384xi32, #tpu.memory_space<vmem>> -> memref<16384xi32, #tpu.memory_space<vmem>>
      %get3A_270 = arith.index_cast %mul3A_266 : i32 to index
      %get3A_271 = tpu.vector_load %get3A_269[%get3A_270] {strides = array<i32>} : memref<16384xi32, #tpu.memory_space<vmem>>, vector<16xi32>,
      %get3A_272 = vector.shape_cast %get3A_271 : vector<16xi32> to vector<16xi32>
      %add3A_273 = arith.addf %add3A_245, %get3A_264 : vector<16xf32>
      %eq3A_274 = arith.constant 1 : i32
      %eq3A_275 = vector.broadcast %eq3A_274 : i32 to vector<16xi32>
      %eq3A_276 = arith.cmpi eq, %get3A_272, %eq3A_275 : vector<16xi32>
      %jit3A_277 = arith.constant 0.000000e+00 : f32
      %broadcast_in_dim3A_278 = vector.broadcast %jit3A_277 : f32 to vector<16xf32>
      %select_n3A_279 = arith.select %eq3A_276, %get3A_264, %broadcast_in_dim3A_278 : vector<16xi1>, vector<16xf32>
      %add3A_280 = arith.addf %add3A_252, %select_n3A_279 : vector<16xf32>
      %convert_element_type3A_281 = arith.sitofp %get3A_272 : vector<16xi32> to vector<16xf32>
      %add3A_282 = arith.addf %add3A_254, %convert_element_type3A_281 : vector<16xf32>
      %scan3A_283 = arith.constant 3 : i32
      %scan3A_284 = arith.addi %scan3A_202, %scan3A_283 : i32
      %mul3A_285 = arith.constant 16 : i32
      %mul3A_286 = arith.muli %scan3A_284, %mul3A_285 : i32
      %get3A_287 = arith.constant 0 : i32
      %get3A_288 = tpu.memref_slice %arg5[%scan3A_105, %get3A_287] : memref<2x16384xf32, #tpu.memory_space<vmem>> -> memref<1x16384xf32, #tpu.memory_space<vmem>>
      %get3A_289 = tpu.memref_squeeze %get3A_288 : memref<1x16384xf32, #tpu.memory_space<vmem>> -> memref<16384xf32, #tpu.memory_space<vmem>>
      %get3A_290 = arith.index_cast %mul3A_286 : i32 to index
      %get3A_291 = tpu.vector_load %get3A_289[%get3A_290] {strides = array<i32>} : memref<16384xf32, #tpu.memory_space<vmem>>, vector<16xf32>,
      %get3A_292 = vector.shape_cast %get3A_291 : vector<16xf32> to vector<16xf32>
      %mul3A_293 = arith.constant 16 : i32
      %mul3A_294 = arith.muli %scan3A_284, %mul3A_293 : i32
      %get3A_295 = arith.constant 0 : i32
      %get3A_296 = tpu.memref_slice %arg6[%scan3A_106, %get3A_295] : memref<2x16384xi32, #tpu.memory_space<vmem>> -> memref<1x16384xi32, #tpu.memory_space<vmem>>
      %get3A_297 = tpu.memref_squeeze %get3A_296 : memref<1x16384xi32, #tpu.memory_space<vmem>> -> memref<16384xi32, #tpu.memory_space<vmem>>
      %get3A_298 = arith.index_cast %mul3A_294 : i32 to index
      %get3A_299 = tpu.vector_load %get3A_297[%get3A_298] {strides = array<i32>} : memref<16384xi32, #tpu.memory_space<vmem>>, vector<16xi32>,
      %get3A_300 = vector.shape_cast %get3A_299 : vector<16xi32> to vector<16xi32>
      %add3A_301 = arith.addf %add3A_273, %get3A_292 : vector<16xf32>
      %eq3A_302 = arith.constant 1 : i32
      %eq3A_303 = vector.broadcast %eq3A_302 : i32 to vector<16xi32>
      %eq3A_304 = arith.cmpi eq, %get3A_300, %eq3A_303 : vector<16xi32>
      %jit3A_305 = arith.constant 0.000000e+00 : f32
      %broadcast_in_dim3A_306 = vector.broadcast %jit3A_305 : f32 to vector<16xf32>
      %select_n3A_307 = arith.select %eq3A_304, %get3A_292, %broadcast_in_dim3A_306 : vector<16xi1>, vector<16xf32>
      %add3A_308 = arith.addf %add3A_280, %select_n3A_307 : vector<16xf32>
      %convert_element_type3A_309 = arith.sitofp %get3A_300 : vector<16xi32> to vector<16xf32>
      %add3A_310 = arith.addf %add3A_282, %convert_element_type3A_309 : vector<16xf32>
      %scan3A_311 = arith.constant 4 : i32
      %scan3A_312 = arith.addi %scan3A_202, %scan3A_311 : i32
      %mul3A_313 = arith.constant 16 : i32
      %mul3A_314 = arith.muli %scan3A_312, %mul3A_313 : i32
      %get3A_315 = arith.constant 0 : i32
      %get3A_316 = tpu.memref_slice %arg5[%scan3A_105, %get3A_315] : memref<2x16384xf32, #tpu.memory_space<vmem>> -> memref<1x16384xf32, #tpu.memory_space<vmem>>
      %get3A_317 = tpu.memref_squeeze %get3A_316 : memref<1x16384xf32, #tpu.memory_space<vmem>> -> memref<16384xf32, #tpu.memory_space<vmem>>
      %get3A_318 = arith.index_cast %mul3A_314 : i32 to index
      %get3A_319 = tpu.vector_load %get3A_317[%get3A_318] {strides = array<i32>} : memref<16384xf32, #tpu.memory_space<vmem>>, vector<16xf32>,
      %get3A_320 = vector.shape_cast %get3A_319 : vector<16xf32> to vector<16xf32>
      %mul3A_321 = arith.constant 16 : i32
      %mul3A_322 = arith.muli %scan3A_312, %mul3A_321 : i32
      %get3A_323 = arith.constant 0 : i32
      %get3A_324 = tpu.memref_slice %arg6[%scan3A_106, %get3A_323] : memref<2x16384xi32, #tpu.memory_space<vmem>> -> memref<1x16384xi32, #tpu.memory_space<vmem>>
      %get3A_325 = tpu.memref_squeeze %get3A_324 : memref<1x16384xi32, #tpu.memory_space<vmem>> -> memref<16384xi32, #tpu.memory_space<vmem>>
      %get3A_326 = arith.index_cast %mul3A_322 : i32 to index
      %get3A_327 = tpu.vector_load %get3A_325[%get3A_326] {strides = array<i32>} : memref<16384xi32, #tpu.memory_space<vmem>>, vector<16xi32>,
      %get3A_328 = vector.shape_cast %get3A_327 : vector<16xi32> to vector<16xi32>
      %add3A_329 = arith.addf %add3A_301, %get3A_320 : vector<16xf32>
      %eq3A_330 = arith.constant 1 : i32
      %eq3A_331 = vector.broadcast %eq3A_330 : i32 to vector<16xi32>
      %eq3A_332 = arith.cmpi eq, %get3A_328, %eq3A_331 : vector<16xi32>
      %jit3A_333 = arith.constant 0.000000e+00 : f32
      %broadcast_in_dim3A_334 = vector.broadcast %jit3A_333 : f32 to vector<16xf32>
      %select_n3A_335 = arith.select %eq3A_332, %get3A_320, %broadcast_in_dim3A_334 : vector<16xi1>, vector<16xf32>
      %add3A_336 = arith.addf %add3A_308, %select_n3A_335 : vector<16xf32>
      %convert_element_type3A_337 = arith.sitofp %get3A_328 : vector<16xi32> to vector<16xf32>
      %add3A_338 = arith.addf %add3A_310, %convert_element_type3A_337 : vector<16xf32>
      %scan3A_339 = arith.constant 5 : i32
      %scan3A_340 = arith.addi %scan3A_202, %scan3A_339 : i32
      %mul3A_341 = arith.constant 16 : i32
      %mul3A_342 = arith.muli %scan3A_340, %mul3A_341 : i32
      %get3A_343 = arith.constant 0 : i32
      %get3A_344 = tpu.memref_slice %arg5[%scan3A_105, %get3A_343] : memref<2x16384xf32, #tpu.memory_space<vmem>> -> memref<1x16384xf32, #tpu.memory_space<vmem>>
      %get3A_345 = tpu.memref_squeeze %get3A_344 : memref<1x16384xf32, #tpu.memory_space<vmem>> -> memref<16384xf32, #tpu.memory_space<vmem>>
      %get3A_346 = arith.index_cast %mul3A_342 : i32 to index
      %get3A_347 = tpu.vector_load %get3A_345[%get3A_346] {strides = array<i32>} : memref<16384xf32, #tpu.memory_space<vmem>>, vector<16xf32>,
      %get3A_348 = vector.shape_cast %get3A_347 : vector<16xf32> to vector<16xf32>
      %mul3A_349 = arith.constant 16 : i32
      %mul3A_350 = arith.muli %scan3A_340, %mul3A_349 : i32
      %get3A_351 = arith.constant 0 : i32
      %get3A_352 = tpu.memref_slice %arg6[%scan3A_106, %get3A_351] : memref<2x16384xi32, #tpu.memory_space<vmem>> -> memref<1x16384xi32, #tpu.memory_space<vmem>>
      %get3A_353 = tpu.memref_squeeze %get3A_352 : memref<1x16384xi32, #tpu.memory_space<vmem>> -> memref<16384xi32, #tpu.memory_space<vmem>>
      %get3A_354 = arith.index_cast %mul3A_350 : i32 to index
      %get3A_355 = tpu.vector_load %get3A_353[%get3A_354] {strides = array<i32>} : memref<16384xi32, #tpu.memory_space<vmem>>, vector<16xi32>,
      %get3A_356 = vector.shape_cast %get3A_355 : vector<16xi32> to vector<16xi32>
      %add3A_357 = arith.addf %add3A_329, %get3A_348 : vector<16xf32>
      %eq3A_358 = arith.constant 1 : i32
      %eq3A_359 = vector.broadcast %eq3A_358 : i32 to vector<16xi32>
      %eq3A_360 = arith.cmpi eq, %get3A_356, %eq3A_359 : vector<16xi32>
      %jit3A_361 = arith.constant 0.000000e+00 : f32
      %broadcast_in_dim3A_362 = vector.broadcast %jit3A_361 : f32 to vector<16xf32>
      %select_n3A_363 = arith.select %eq3A_360, %get3A_348, %broadcast_in_dim3A_362 : vector<16xi1>, vector<16xf32>
      %add3A_364 = arith.addf %add3A_336, %select_n3A_363 : vector<16xf32>
      %convert_element_type3A_365 = arith.sitofp %get3A_356 : vector<16xi32> to vector<16xf32>
      %add3A_366 = arith.addf %add3A_338, %convert_element_type3A_365 : vector<16xf32>
      %scan3A_367 = arith.constant 6 : i32
      %scan3A_368 = arith.addi %scan3A_202, %scan3A_367 : i32
      %mul3A_369 = arith.constant 16 : i32
      %mul3A_370 = arith.muli %scan3A_368, %mul3A_369 : i32
      %get3A_371 = arith.constant 0 : i32
      %get3A_372 = tpu.memref_slice %arg5[%scan3A_105, %get3A_371] : memref<2x16384xf32, #tpu.memory_space<vmem>> -> memref<1x16384xf32, #tpu.memory_space<vmem>>
      %get3A_373 = tpu.memref_squeeze %get3A_372 : memref<1x16384xf32, #tpu.memory_space<vmem>> -> memref<16384xf32, #tpu.memory_space<vmem>>
      %get3A_374 = arith.index_cast %mul3A_370 : i32 to index
      %get3A_375 = tpu.vector_load %get3A_373[%get3A_374] {strides = array<i32>} : memref<16384xf32, #tpu.memory_space<vmem>>, vector<16xf32>,
      %get3A_376 = vector.shape_cast %get3A_375 : vector<16xf32> to vector<16xf32>
      %mul3A_377 = arith.constant 16 : i32
      %mul3A_378 = arith.muli %scan3A_368, %mul3A_377 : i32
      %get3A_379 = arith.constant 0 : i32
      %get3A_380 = tpu.memref_slice %arg6[%scan3A_106, %get3A_379] : memref<2x16384xi32, #tpu.memory_space<vmem>> -> memref<1x16384xi32, #tpu.memory_space<vmem>>
      %get3A_381 = tpu.memref_squeeze %get3A_380 : memref<1x16384xi32, #tpu.memory_space<vmem>> -> memref<16384xi32, #tpu.memory_space<vmem>>
      %get3A_382 = arith.index_cast %mul3A_378 : i32 to index
      %get3A_383 = tpu.vector_load %get3A_381[%get3A_382] {strides = array<i32>} : memref<16384xi32, #tpu.memory_space<vmem>>, vector<16xi32>,
      %get3A_384 = vector.shape_cast %get3A_383 : vector<16xi32> to vector<16xi32>
      %add3A_385 = arith.addf %add3A_357, %get3A_376 : vector<16xf32>
      %eq3A_386 = arith.constant 1 : i32
      %eq3A_387 = vector.broadcast %eq3A_386 : i32 to vector<16xi32>
      %eq3A_388 = arith.cmpi eq, %get3A_384, %eq3A_387 : vector<16xi32>
      %jit3A_389 = arith.constant 0.000000e+00 : f32
      %broadcast_in_dim3A_390 = vector.broadcast %jit3A_389 : f32 to vector<16xf32>
      %select_n3A_391 = arith.select %eq3A_388, %get3A_376, %broadcast_in_dim3A_390 : vector<16xi1>, vector<16xf32>
      %add3A_392 = arith.addf %add3A_364, %select_n3A_391 : vector<16xf32>
      %convert_element_type3A_393 = arith.sitofp %get3A_384 : vector<16xi32> to vector<16xf32>
      %add3A_394 = arith.addf %add3A_366, %convert_element_type3A_393 : vector<16xf32>
      %scan3A_395 = arith.constant 7 : i32
      %scan3A_396 = arith.addi %scan3A_202, %scan3A_395 : i32
      %mul3A_397 = arith.constant 16 : i32
      %mul3A_398 = arith.muli %scan3A_396, %mul3A_397 : i32
      %get3A_399 = arith.constant 0 : i32
      %get3A_400 = tpu.memref_slice %arg5[%scan3A_105, %get3A_399] : memref<2x16384xf32, #tpu.memory_space<vmem>> -> memref<1x16384xf32, #tpu.memory_space<vmem>>
      %get3A_401 = tpu.memref_squeeze %get3A_400 : memref<1x16384xf32, #tpu.memory_space<vmem>> -> memref<16384xf32, #tpu.memory_space<vmem>>
      %get3A_402 = arith.index_cast %mul3A_398 : i32 to index
      %get3A_403 = tpu.vector_load %get3A_401[%get3A_402] {strides = array<i32>} : memref<16384xf32, #tpu.memory_space<vmem>>, vector<16xf32>,
      %get3A_404 = vector.shape_cast %get3A_403 : vector<16xf32> to vector<16xf32>
      %mul3A_405 = arith.constant 16 : i32
      %mul3A_406 = arith.muli %scan3A_396, %mul3A_405 : i32
      %get3A_407 = arith.constant 0 : i32
      %get3A_408 = tpu.memref_slice %arg6[%scan3A_106, %get3A_407] : memref<2x16384xi32, #tpu.memory_space<vmem>> -> memref<1x16384xi32, #tpu.memory_space<vmem>>
      %get3A_409 = tpu.memref_squeeze %get3A_408 : memref<1x16384xi32, #tpu.memory_space<vmem>> -> memref<16384xi32, #tpu.memory_space<vmem>>
      %get3A_410 = arith.index_cast %mul3A_406 : i32 to index
      %get3A_411 = tpu.vector_load %get3A_409[%get3A_410] {strides = array<i32>} : memref<16384xi32, #tpu.memory_space<vmem>>, vector<16xi32>,
      %get3A_412 = vector.shape_cast %get3A_411 : vector<16xi32> to vector<16xi32>
      %add3A_413 = arith.addf %add3A_385, %get3A_404 : vector<16xf32>
      %eq3A_414 = arith.constant 1 : i32
      %eq3A_415 = vector.broadcast %eq3A_414 : i32 to vector<16xi32>
      %eq3A_416 = arith.cmpi eq, %get3A_412, %eq3A_415 : vector<16xi32>
      %jit3A_417 = arith.constant 0.000000e+00 : f32
      %broadcast_in_dim3A_418 = vector.broadcast %jit3A_417 : f32 to vector<16xf32>
      %select_n3A_419 = arith.select %eq3A_416, %get3A_404, %broadcast_in_dim3A_418 : vector<16xi1>, vector<16xf32>
      %add3A_420 = arith.addf %add3A_392, %select_n3A_419 : vector<16xf32>
      %convert_element_type3A_421 = arith.sitofp %get3A_412 : vector<16xi32> to vector<16xf32>
      %add3A_422 = arith.addf %add3A_394, %convert_element_type3A_421 : vector<16xf32>
      scf.yield %add3A_413, %add3A_420, %add3A_422 : vector<16xf32>, vector<16xf32>, vector<16xf32>
    }
    %scan3A_112 = arith.constant 1024 : i32
    %dma_wait3A_113 = arith.constant 0 : i32
    %dma_wait3A_114 = arith.constant 0 : i32
    %dma_wait3A_115 = tpu.memref_slice %arg5[%dma_wait3A_113, %dma_wait3A_114] : memref<2x16384xf32, #tpu.memory_space<vmem>> -> memref<1x16384xf32, #tpu.memory_space<vmem>>
    %dma_wait3A_116 = tpu.memref_squeeze %dma_wait3A_115 : memref<1x16384xf32, #tpu.memory_space<vmem>> -> memref<16384xf32, #tpu.memory_space<vmem>>
    %dma_wait3A_117 = tpu.memref_slice %arg2[%add3A_86] : memref<4194304xf32, #tpu.memory_space<hbm>> -> memref<16384xf32, #tpu.memory_space<hbm>>
    %dma_wait3A_118 = arith.constant 0 : i32
    %dma_wait3A_119 = tpu.memref_slice %arg5[%dma_wait3A_113, %dma_wait3A_118] : memref<2x16384xf32, #tpu.memory_space<vmem>> -> memref<1x16384xf32, #tpu.memory_space<vmem>>
    %dma_wait3A_120 = tpu.memref_squeeze %dma_wait3A_119 : memref<1x16384xf32, #tpu.memory_space<vmem>> -> memref<16384xf32, #tpu.memory_space<vmem>>
    %dma_wait3A_121 = tpu.memref_slice %arg2[%add3A_86] : memref<4194304xf32, #tpu.memory_space<hbm>> -> memref<16384xf32, #tpu.memory_space<hbm>>
    tpu.wait_dma2 semaphore(%arg8 : memref<!tpu.dma_semaphore, #tpu.memory_space<semaphore_mem>>) src(%dma_wait3A_121 : memref<16384xf32, #tpu.memory_space<hbm>>) dst(%dma_wait3A_120 : memref<16384xf32, #tpu.memory_space<vmem>>)
    %dma_wait3A_122 = arith.constant 0 : i32
    %dma_wait3A_123 = arith.constant 0 : i32
    %dma_wait3A_124 = tpu.memref_slice %arg6[%dma_wait3A_122, %dma_wait3A_123] : memref<2x16384xi32, #tpu.memory_space<vmem>> -> memref<1x16384xi32, #tpu.memory_space<vmem>>
    %dma_wait3A_125 = tpu.memref_squeeze %dma_wait3A_124 : memref<1x16384xi32, #tpu.memory_space<vmem>> -> memref<16384xi32, #tpu.memory_space<vmem>>
    %dma_wait3A_126 = tpu.memref_slice %arg3[%add3A_86] : memref<4194304xi32, #tpu.memory_space<hbm>> -> memref<16384xi32, #tpu.memory_space<hbm>>
    %dma_wait3A_127 = arith.constant 0 : i32
    %dma_wait3A_128 = tpu.memref_slice %arg6[%dma_wait3A_122, %dma_wait3A_127] : memref<2x16384xi32, #tpu.memory_space<vmem>> -> memref<1x16384xi32, #tpu.memory_space<vmem>>
    %dma_wait3A_129 = tpu.memref_squeeze %dma_wait3A_128 : memref<1x16384xi32, #tpu.memory_space<vmem>> -> memref<16384xi32, #tpu.memory_space<vmem>>
    %dma_wait3A_130 = tpu.memref_slice %arg3[%add3A_86] : memref<4194304xi32, #tpu.memory_space<hbm>> -> memref<16384xi32, #tpu.memory_space<hbm>>
    tpu.wait_dma2 semaphore(%arg10 : memref<!tpu.dma_semaphore, #tpu.memory_space<semaphore_mem>>) src(%dma_wait3A_130 : memref<16384xi32, #tpu.memory_space<hbm>>) dst(%dma_wait3A_129 : memref<16384xi32, #tpu.memory_space<vmem>>)
    %add3A_131 = arith.constant 49152 : i32
    %add3A_132 = arith.addi %mul3A_2, %add3A_131 : i32
    %dma_start3A_133 = arith.constant 1 : i32
    %dma_start3A_134 = arith.constant 0 : i32
    %dma_start3A_135 = tpu.memref_slice %arg5[%dma_start3A_133, %dma_start3A_134] : memref<2x16384xf32, #tpu.memory_space<vmem>> -> memref<1x16384xf32, #tpu.memory_space<vmem>>
    %dma_start3A_136 = tpu.memref_squeeze %dma_start3A_135 : memref<1x16384xf32, #tpu.memory_space<vmem>> -> memref<16384xf32, #tpu.memory_space<vmem>>
    %dma_start3A_137 = tpu.memref_slice %arg2[%add3A_132] : memref<4194304xf32, #tpu.memory_space<hbm>> -> memref<16384xf32, #tpu.memory_space<hbm>>
    %dma_start3A_138 = arith.constant 0 : i32
    %dma_start3A_139 = tpu.memref_slice %arg5[%dma_start3A_133, %dma_start3A_138] : memref<2x16384xf32, #tpu.memory_space<vmem>> -> memref<1x16384xf32, #tpu.memory_space<vmem>>
    %dma_start3A_140 = tpu.memref_squeeze %dma_start3A_139 : memref<1x16384xf32, #tpu.memory_space<vmem>> -> memref<16384xf32, #tpu.memory_space<vmem>>
    %dma_start3A_141 = tpu.memref_slice %arg2[%add3A_132] : memref<4194304xf32, #tpu.memory_space<hbm>> -> memref<16384xf32, #tpu.memory_space<hbm>>
    tpu.enqueue_dma source(%dma_start3A_141 : memref<16384xf32, #tpu.memory_space<hbm>>) target(%dma_start3A_140 : memref<16384xf32, #tpu.memory_space<vmem>>) target_semaphore(%arg9 : memref<!tpu.dma_semaphore, #tpu.memory_space<semaphore_mem>>)
    %dma_start3A_142 = arith.constant 1 : i32
    %dma_start3A_143 = arith.constant 0 : i32
    %dma_start3A_144 = tpu.memref_slice %arg6[%dma_start3A_142, %dma_start3A_143] : memref<2x16384xi32, #tpu.memory_space<vmem>> -> memref<1x16384xi32, #tpu.memory_space<vmem>>
    %dma_start3A_145 = tpu.memref_squeeze %dma_start3A_144 : memref<1x16384xi32, #tpu.memory_space<vmem>> -> memref<16384xi32, #tpu.memory_space<vmem>>
    %dma_start3A_146 = tpu.memref_slice %arg3[%add3A_132] : memref<4194304xi32, #tpu.memory_space<hbm>> -> memref<16384xi32, #tpu.memory_space<hbm>>
    %dma_start3A_147 = arith.constant 0 : i32
    %dma_start3A_148 = tpu.memref_slice %arg6[%dma_start3A_142, %dma_start3A_147] : memref<2x16384xi32, #tpu.memory_space<vmem>> -> memref<1x16384xi32, #tpu.memory_space<vmem>>
    %dma_start3A_149 = tpu.memref_squeeze %dma_start3A_148 : memref<1x16384xi32, #tpu.memory_space<vmem>> -> memref<16384xi32, #tpu.memory_space<vmem>>
    %dma_start3A_150 = tpu.memref_slice %arg3[%add3A_132] : memref<4194304xi32, #tpu.memory_space<hbm>> -> memref<16384xi32, #tpu.memory_space<hbm>>
    tpu.enqueue_dma source(%dma_start3A_150 : memref<16384xi32, #tpu.memory_space<hbm>>) target(%dma_start3A_149 : memref<16384xi32, #tpu.memory_space<vmem>>) target_semaphore(%arg11 : memref<!tpu.dma_semaphore, #tpu.memory_space<semaphore_mem>>)
    %scan3A_151 = arith.constant 0 : i32
    %scan3A_152 = arith.constant 0 : i32
    %scan3A_153 = arith.constant 0 : i32
    %scan3A_154 = arith.constant 1024 : i32
    %scan3A_155 = arith.addi %scan3A_153, %scan3A_154 : i32
    %scan3A_156 = arith.constant 8 : i32
    %scan3A_157:3 = scf.for %scan3A_202 = %scan3A_153 to %scan3A_155 step %scan3A_156 iter_args(%scan3A_203 = %scan3A_111#0, %scan3A_204 = %scan3A_111#1, %scan3A_205 = %scan3A_111#2) -> (vector<16xf32>, vector<16xf32>, vector<16xf32>)  : i32 {
      %mul3A_206 = arith.constant 16 : i32
      %mul3A_207 = arith.muli %scan3A_202, %mul3A_206 : i32
      %get3A = arith.constant 0 : i32
      %get3A_208 = tpu.memref_slice %arg5[%scan3A_151, %get3A] : memref<2x16384xf32, #tpu.memory_space<vmem>> -> memref<1x16384xf32, #tpu.memory_space<vmem>>
      %get3A_209 = tpu.memref_squeeze %get3A_208 : memref<1x16384xf32, #tpu.memory_space<vmem>> -> memref<16384xf32, #tpu.memory_space<vmem>>
      %get3A_210 = arith.index_cast %mul3A_207 : i32 to index
      %get3A_211 = tpu.vector_load %get3A_209[%get3A_210] {strides = array<i32>} : memref<16384xf32, #tpu.memory_space<vmem>>, vector<16xf32>,
      %get3A_212 = vector.shape_cast %get3A_211 : vector<16xf32> to vector<16xf32>
      %mul3A_213 = arith.constant 16 : i32
      %mul3A_214 = arith.muli %scan3A_202, %mul3A_213 : i32
      %get3A_215 = arith.constant 0 : i32
      %get3A_216 = tpu.memref_slice %arg6[%scan3A_152, %get3A_215] : memref<2x16384xi32, #tpu.memory_space<vmem>> -> memref<1x16384xi32, #tpu.memory_space<vmem>>
      %get3A_217 = tpu.memref_squeeze %get3A_216 : memref<1x16384xi32, #tpu.memory_space<vmem>> -> memref<16384xi32, #tpu.memory_space<vmem>>
      %get3A_218 = arith.index_cast %mul3A_214 : i32 to index
      %get3A_219 = tpu.vector_load %get3A_217[%get3A_218] {strides = array<i32>} : memref<16384xi32, #tpu.memory_space<vmem>>, vector<16xi32>,
      %get3A_220 = vector.shape_cast %get3A_219 : vector<16xi32> to vector<16xi32>
      %add3A_221 = arith.addf %scan3A_203, %get3A_212 : vector<16xf32>
      %eq3A = arith.constant 1 : i32
      %eq3A_222 = vector.broadcast %eq3A : i32 to vector<16xi32>
      %eq3A_223 = arith.cmpi eq, %get3A_220, %eq3A_222 : vector<16xi32>
      %jit3A = arith.constant 0.000000e+00 : f32
      %broadcast_in_dim3A_224 = vector.broadcast %jit3A : f32 to vector<16xf32>
      %select_n3A = arith.select %eq3A_223, %get3A_212, %broadcast_in_dim3A_224 : vector<16xi1>, vector<16xf32>
      %add3A_225 = arith.addf %scan3A_204, %select_n3A : vector<16xf32>
      %convert_element_type3A = arith.sitofp %get3A_220 : vector<16xi32> to vector<16xf32>
      %add3A_226 = arith.addf %scan3A_205, %convert_element_type3A : vector<16xf32>
      %scan3A_227 = arith.constant 1 : i32
      %scan3A_228 = arith.addi %scan3A_202, %scan3A_227 : i32
      %mul3A_229 = arith.constant 16 : i32
      %mul3A_230 = arith.muli %scan3A_228, %mul3A_229 : i32
      %get3A_231 = arith.constant 0 : i32
      %get3A_232 = tpu.memref_slice %arg5[%scan3A_151, %get3A_231] : memref<2x16384xf32, #tpu.memory_space<vmem>> -> memref<1x16384xf32, #tpu.memory_space<vmem>>
      %get3A_233 = tpu.memref_squeeze %get3A_232 : memref<1x16384xf32, #tpu.memory_space<vmem>> -> memref<16384xf32, #tpu.memory_space<vmem>>
      %get3A_234 = arith.index_cast %mul3A_230 : i32 to index
      %get3A_235 = tpu.vector_load %get3A_233[%get3A_234] {strides = array<i32>} : memref<16384xf32, #tpu.memory_space<vmem>>, vector<16xf32>,
      %get3A_236 = vector.shape_cast %get3A_235 : vector<16xf32> to vector<16xf32>
      %mul3A_237 = arith.constant 16 : i32
      %mul3A_238 = arith.muli %scan3A_228, %mul3A_237 : i32
      %get3A_239 = arith.constant 0 : i32
      %get3A_240 = tpu.memref_slice %arg6[%scan3A_152, %get3A_239] : memref<2x16384xi32, #tpu.memory_space<vmem>> -> memref<1x16384xi32, #tpu.memory_space<vmem>>
      %get3A_241 = tpu.memref_squeeze %get3A_240 : memref<1x16384xi32, #tpu.memory_space<vmem>> -> memref<16384xi32, #tpu.memory_space<vmem>>
      %get3A_242 = arith.index_cast %mul3A_238 : i32 to index
      %get3A_243 = tpu.vector_load %get3A_241[%get3A_242] {strides = array<i32>} : memref<16384xi32, #tpu.memory_space<vmem>>, vector<16xi32>,
      %get3A_244 = vector.shape_cast %get3A_243 : vector<16xi32> to vector<16xi32>
      %add3A_245 = arith.addf %add3A_221, %get3A_236 : vector<16xf32>
      %eq3A_246 = arith.constant 1 : i32
      %eq3A_247 = vector.broadcast %eq3A_246 : i32 to vector<16xi32>
      %eq3A_248 = arith.cmpi eq, %get3A_244, %eq3A_247 : vector<16xi32>
      %jit3A_249 = arith.constant 0.000000e+00 : f32
      %broadcast_in_dim3A_250 = vector.broadcast %jit3A_249 : f32 to vector<16xf32>
      %select_n3A_251 = arith.select %eq3A_248, %get3A_236, %broadcast_in_dim3A_250 : vector<16xi1>, vector<16xf32>
      %add3A_252 = arith.addf %add3A_225, %select_n3A_251 : vector<16xf32>
      %convert_element_type3A_253 = arith.sitofp %get3A_244 : vector<16xi32> to vector<16xf32>
      %add3A_254 = arith.addf %add3A_226, %convert_element_type3A_253 : vector<16xf32>
      %scan3A_255 = arith.constant 2 : i32
      %scan3A_256 = arith.addi %scan3A_202, %scan3A_255 : i32
      %mul3A_257 = arith.constant 16 : i32
      %mul3A_258 = arith.muli %scan3A_256, %mul3A_257 : i32
      %get3A_259 = arith.constant 0 : i32
      %get3A_260 = tpu.memref_slice %arg5[%scan3A_151, %get3A_259] : memref<2x16384xf32, #tpu.memory_space<vmem>> -> memref<1x16384xf32, #tpu.memory_space<vmem>>
      %get3A_261 = tpu.memref_squeeze %get3A_260 : memref<1x16384xf32, #tpu.memory_space<vmem>> -> memref<16384xf32, #tpu.memory_space<vmem>>
      %get3A_262 = arith.index_cast %mul3A_258 : i32 to index
      %get3A_263 = tpu.vector_load %get3A_261[%get3A_262] {strides = array<i32>} : memref<16384xf32, #tpu.memory_space<vmem>>, vector<16xf32>,
      %get3A_264 = vector.shape_cast %get3A_263 : vector<16xf32> to vector<16xf32>
      %mul3A_265 = arith.constant 16 : i32
      %mul3A_266 = arith.muli %scan3A_256, %mul3A_265 : i32
      %get3A_267 = arith.constant 0 : i32
      %get3A_268 = tpu.memref_slice %arg6[%scan3A_152, %get3A_267] : memref<2x16384xi32, #tpu.memory_space<vmem>> -> memref<1x16384xi32, #tpu.memory_space<vmem>>
      %get3A_269 = tpu.memref_squeeze %get3A_268 : memref<1x16384xi32, #tpu.memory_space<vmem>> -> memref<16384xi32, #tpu.memory_space<vmem>>
      %get3A_270 = arith.index_cast %mul3A_266 : i32 to index
      %get3A_271 = tpu.vector_load %get3A_269[%get3A_270] {strides = array<i32>} : memref<16384xi32, #tpu.memory_space<vmem>>, vector<16xi32>,
      %get3A_272 = vector.shape_cast %get3A_271 : vector<16xi32> to vector<16xi32>
      %add3A_273 = arith.addf %add3A_245, %get3A_264 : vector<16xf32>
      %eq3A_274 = arith.constant 1 : i32
      %eq3A_275 = vector.broadcast %eq3A_274 : i32 to vector<16xi32>
      %eq3A_276 = arith.cmpi eq, %get3A_272, %eq3A_275 : vector<16xi32>
      %jit3A_277 = arith.constant 0.000000e+00 : f32
      %broadcast_in_dim3A_278 = vector.broadcast %jit3A_277 : f32 to vector<16xf32>
      %select_n3A_279 = arith.select %eq3A_276, %get3A_264, %broadcast_in_dim3A_278 : vector<16xi1>, vector<16xf32>
      %add3A_280 = arith.addf %add3A_252, %select_n3A_279 : vector<16xf32>
      %convert_element_type3A_281 = arith.sitofp %get3A_272 : vector<16xi32> to vector<16xf32>
      %add3A_282 = arith.addf %add3A_254, %convert_element_type3A_281 : vector<16xf32>
      %scan3A_283 = arith.constant 3 : i32
      %scan3A_284 = arith.addi %scan3A_202, %scan3A_283 : i32
      %mul3A_285 = arith.constant 16 : i32
      %mul3A_286 = arith.muli %scan3A_284, %mul3A_285 : i32
      %get3A_287 = arith.constant 0 : i32
      %get3A_288 = tpu.memref_slice %arg5[%scan3A_151, %get3A_287] : memref<2x16384xf32, #tpu.memory_space<vmem>> -> memref<1x16384xf32, #tpu.memory_space<vmem>>
      %get3A_289 = tpu.memref_squeeze %get3A_288 : memref<1x16384xf32, #tpu.memory_space<vmem>> -> memref<16384xf32, #tpu.memory_space<vmem>>
      %get3A_290 = arith.index_cast %mul3A_286 : i32 to index
      %get3A_291 = tpu.vector_load %get3A_289[%get3A_290] {strides = array<i32>} : memref<16384xf32, #tpu.memory_space<vmem>>, vector<16xf32>,
      %get3A_292 = vector.shape_cast %get3A_291 : vector<16xf32> to vector<16xf32>
      %mul3A_293 = arith.constant 16 : i32
      %mul3A_294 = arith.muli %scan3A_284, %mul3A_293 : i32
      %get3A_295 = arith.constant 0 : i32
      %get3A_296 = tpu.memref_slice %arg6[%scan3A_152, %get3A_295] : memref<2x16384xi32, #tpu.memory_space<vmem>> -> memref<1x16384xi32, #tpu.memory_space<vmem>>
      %get3A_297 = tpu.memref_squeeze %get3A_296 : memref<1x16384xi32, #tpu.memory_space<vmem>> -> memref<16384xi32, #tpu.memory_space<vmem>>
      %get3A_298 = arith.index_cast %mul3A_294 : i32 to index
      %get3A_299 = tpu.vector_load %get3A_297[%get3A_298] {strides = array<i32>} : memref<16384xi32, #tpu.memory_space<vmem>>, vector<16xi32>,
      %get3A_300 = vector.shape_cast %get3A_299 : vector<16xi32> to vector<16xi32>
      %add3A_301 = arith.addf %add3A_273, %get3A_292 : vector<16xf32>
      %eq3A_302 = arith.constant 1 : i32
      %eq3A_303 = vector.broadcast %eq3A_302 : i32 to vector<16xi32>
      %eq3A_304 = arith.cmpi eq, %get3A_300, %eq3A_303 : vector<16xi32>
      %jit3A_305 = arith.constant 0.000000e+00 : f32
      %broadcast_in_dim3A_306 = vector.broadcast %jit3A_305 : f32 to vector<16xf32>
      %select_n3A_307 = arith.select %eq3A_304, %get3A_292, %broadcast_in_dim3A_306 : vector<16xi1>, vector<16xf32>
      %add3A_308 = arith.addf %add3A_280, %select_n3A_307 : vector<16xf32>
      %convert_element_type3A_309 = arith.sitofp %get3A_300 : vector<16xi32> to vector<16xf32>
      %add3A_310 = arith.addf %add3A_282, %convert_element_type3A_309 : vector<16xf32>
      %scan3A_311 = arith.constant 4 : i32
      %scan3A_312 = arith.addi %scan3A_202, %scan3A_311 : i32
      %mul3A_313 = arith.constant 16 : i32
      %mul3A_314 = arith.muli %scan3A_312, %mul3A_313 : i32
      %get3A_315 = arith.constant 0 : i32
      %get3A_316 = tpu.memref_slice %arg5[%scan3A_151, %get3A_315] : memref<2x16384xf32, #tpu.memory_space<vmem>> -> memref<1x16384xf32, #tpu.memory_space<vmem>>
      %get3A_317 = tpu.memref_squeeze %get3A_316 : memref<1x16384xf32, #tpu.memory_space<vmem>> -> memref<16384xf32, #tpu.memory_space<vmem>>
      %get3A_318 = arith.index_cast %mul3A_314 : i32 to index
      %get3A_319 = tpu.vector_load %get3A_317[%get3A_318] {strides = array<i32>} : memref<16384xf32, #tpu.memory_space<vmem>>, vector<16xf32>,
      %get3A_320 = vector.shape_cast %get3A_319 : vector<16xf32> to vector<16xf32>
      %mul3A_321 = arith.constant 16 : i32
      %mul3A_322 = arith.muli %scan3A_312, %mul3A_321 : i32
      %get3A_323 = arith.constant 0 : i32
      %get3A_324 = tpu.memref_slice %arg6[%scan3A_152, %get3A_323] : memref<2x16384xi32, #tpu.memory_space<vmem>> -> memref<1x16384xi32, #tpu.memory_space<vmem>>
      %get3A_325 = tpu.memref_squeeze %get3A_324 : memref<1x16384xi32, #tpu.memory_space<vmem>> -> memref<16384xi32, #tpu.memory_space<vmem>>
      %get3A_326 = arith.index_cast %mul3A_322 : i32 to index
      %get3A_327 = tpu.vector_load %get3A_325[%get3A_326] {strides = array<i32>} : memref<16384xi32, #tpu.memory_space<vmem>>, vector<16xi32>,
      %get3A_328 = vector.shape_cast %get3A_327 : vector<16xi32> to vector<16xi32>
      %add3A_329 = arith.addf %add3A_301, %get3A_320 : vector<16xf32>
      %eq3A_330 = arith.constant 1 : i32
      %eq3A_331 = vector.broadcast %eq3A_330 : i32 to vector<16xi32>
      %eq3A_332 = arith.cmpi eq, %get3A_328, %eq3A_331 : vector<16xi32>
      %jit3A_333 = arith.constant 0.000000e+00 : f32
      %broadcast_in_dim3A_334 = vector.broadcast %jit3A_333 : f32 to vector<16xf32>
      %select_n3A_335 = arith.select %eq3A_332, %get3A_320, %broadcast_in_dim3A_334 : vector<16xi1>, vector<16xf32>
      %add3A_336 = arith.addf %add3A_308, %select_n3A_335 : vector<16xf32>
      %convert_element_type3A_337 = arith.sitofp %get3A_328 : vector<16xi32> to vector<16xf32>
      %add3A_338 = arith.addf %add3A_310, %convert_element_type3A_337 : vector<16xf32>
      %scan3A_339 = arith.constant 5 : i32
      %scan3A_340 = arith.addi %scan3A_202, %scan3A_339 : i32
      %mul3A_341 = arith.constant 16 : i32
      %mul3A_342 = arith.muli %scan3A_340, %mul3A_341 : i32
      %get3A_343 = arith.constant 0 : i32
      %get3A_344 = tpu.memref_slice %arg5[%scan3A_151, %get3A_343] : memref<2x16384xf32, #tpu.memory_space<vmem>> -> memref<1x16384xf32, #tpu.memory_space<vmem>>
      %get3A_345 = tpu.memref_squeeze %get3A_344 : memref<1x16384xf32, #tpu.memory_space<vmem>> -> memref<16384xf32, #tpu.memory_space<vmem>>
      %get3A_346 = arith.index_cast %mul3A_342 : i32 to index
      %get3A_347 = tpu.vector_load %get3A_345[%get3A_346] {strides = array<i32>} : memref<16384xf32, #tpu.memory_space<vmem>>, vector<16xf32>,
      %get3A_348 = vector.shape_cast %get3A_347 : vector<16xf32> to vector<16xf32>
      %mul3A_349 = arith.constant 16 : i32
      %mul3A_350 = arith.muli %scan3A_340, %mul3A_349 : i32
      %get3A_351 = arith.constant 0 : i32
      %get3A_352 = tpu.memref_slice %arg6[%scan3A_152, %get3A_351] : memref<2x16384xi32, #tpu.memory_space<vmem>> -> memref<1x16384xi32, #tpu.memory_space<vmem>>
      %get3A_353 = tpu.memref_squeeze %get3A_352 : memref<1x16384xi32, #tpu.memory_space<vmem>> -> memref<16384xi32, #tpu.memory_space<vmem>>
      %get3A_354 = arith.index_cast %mul3A_350 : i32 to index
      %get3A_355 = tpu.vector_load %get3A_353[%get3A_354] {strides = array<i32>} : memref<16384xi32, #tpu.memory_space<vmem>>, vector<16xi32>,
      %get3A_356 = vector.shape_cast %get3A_355 : vector<16xi32> to vector<16xi32>
      %add3A_357 = arith.addf %add3A_329, %get3A_348 : vector<16xf32>
      %eq3A_358 = arith.constant 1 : i32
      %eq3A_359 = vector.broadcast %eq3A_358 : i32 to vector<16xi32>
      %eq3A_360 = arith.cmpi eq, %get3A_356, %eq3A_359 : vector<16xi32>
      %jit3A_361 = arith.constant 0.000000e+00 : f32
      %broadcast_in_dim3A_362 = vector.broadcast %jit3A_361 : f32 to vector<16xf32>
      %select_n3A_363 = arith.select %eq3A_360, %get3A_348, %broadcast_in_dim3A_362 : vector<16xi1>, vector<16xf32>
      %add3A_364 = arith.addf %add3A_336, %select_n3A_363 : vector<16xf32>
      %convert_element_type3A_365 = arith.sitofp %get3A_356 : vector<16xi32> to vector<16xf32>
      %add3A_366 = arith.addf %add3A_338, %convert_element_type3A_365 : vector<16xf32>
      %scan3A_367 = arith.constant 6 : i32
      %scan3A_368 = arith.addi %scan3A_202, %scan3A_367 : i32
      %mul3A_369 = arith.constant 16 : i32
      %mul3A_370 = arith.muli %scan3A_368, %mul3A_369 : i32
      %get3A_371 = arith.constant 0 : i32
      %get3A_372 = tpu.memref_slice %arg5[%scan3A_151, %get3A_371] : memref<2x16384xf32, #tpu.memory_space<vmem>> -> memref<1x16384xf32, #tpu.memory_space<vmem>>
      %get3A_373 = tpu.memref_squeeze %get3A_372 : memref<1x16384xf32, #tpu.memory_space<vmem>> -> memref<16384xf32, #tpu.memory_space<vmem>>
      %get3A_374 = arith.index_cast %mul3A_370 : i32 to index
      %get3A_375 = tpu.vector_load %get3A_373[%get3A_374] {strides = array<i32>} : memref<16384xf32, #tpu.memory_space<vmem>>, vector<16xf32>,
      %get3A_376 = vector.shape_cast %get3A_375 : vector<16xf32> to vector<16xf32>
      %mul3A_377 = arith.constant 16 : i32
      %mul3A_378 = arith.muli %scan3A_368, %mul3A_377 : i32
      %get3A_379 = arith.constant 0 : i32
      %get3A_380 = tpu.memref_slice %arg6[%scan3A_152, %get3A_379] : memref<2x16384xi32, #tpu.memory_space<vmem>> -> memref<1x16384xi32, #tpu.memory_space<vmem>>
      %get3A_381 = tpu.memref_squeeze %get3A_380 : memref<1x16384xi32, #tpu.memory_space<vmem>> -> memref<16384xi32, #tpu.memory_space<vmem>>
      %get3A_382 = arith.index_cast %mul3A_378 : i32 to index
      %get3A_383 = tpu.vector_load %get3A_381[%get3A_382] {strides = array<i32>} : memref<16384xi32, #tpu.memory_space<vmem>>, vector<16xi32>,
      %get3A_384 = vector.shape_cast %get3A_383 : vector<16xi32> to vector<16xi32>
      %add3A_385 = arith.addf %add3A_357, %get3A_376 : vector<16xf32>
      %eq3A_386 = arith.constant 1 : i32
      %eq3A_387 = vector.broadcast %eq3A_386 : i32 to vector<16xi32>
      %eq3A_388 = arith.cmpi eq, %get3A_384, %eq3A_387 : vector<16xi32>
      %jit3A_389 = arith.constant 0.000000e+00 : f32
      %broadcast_in_dim3A_390 = vector.broadcast %jit3A_389 : f32 to vector<16xf32>
      %select_n3A_391 = arith.select %eq3A_388, %get3A_376, %broadcast_in_dim3A_390 : vector<16xi1>, vector<16xf32>
      %add3A_392 = arith.addf %add3A_364, %select_n3A_391 : vector<16xf32>
      %convert_element_type3A_393 = arith.sitofp %get3A_384 : vector<16xi32> to vector<16xf32>
      %add3A_394 = arith.addf %add3A_366, %convert_element_type3A_393 : vector<16xf32>
      %scan3A_395 = arith.constant 7 : i32
      %scan3A_396 = arith.addi %scan3A_202, %scan3A_395 : i32
      %mul3A_397 = arith.constant 16 : i32
      %mul3A_398 = arith.muli %scan3A_396, %mul3A_397 : i32
      %get3A_399 = arith.constant 0 : i32
      %get3A_400 = tpu.memref_slice %arg5[%scan3A_151, %get3A_399] : memref<2x16384xf32, #tpu.memory_space<vmem>> -> memref<1x16384xf32, #tpu.memory_space<vmem>>
      %get3A_401 = tpu.memref_squeeze %get3A_400 : memref<1x16384xf32, #tpu.memory_space<vmem>> -> memref<16384xf32, #tpu.memory_space<vmem>>
      %get3A_402 = arith.index_cast %mul3A_398 : i32 to index
      %get3A_403 = tpu.vector_load %get3A_401[%get3A_402] {strides = array<i32>} : memref<16384xf32, #tpu.memory_space<vmem>>, vector<16xf32>,
      %get3A_404 = vector.shape_cast %get3A_403 : vector<16xf32> to vector<16xf32>
      %mul3A_405 = arith.constant 16 : i32
      %mul3A_406 = arith.muli %scan3A_396, %mul3A_405 : i32
      %get3A_407 = arith.constant 0 : i32
      %get3A_408 = tpu.memref_slice %arg6[%scan3A_152, %get3A_407] : memref<2x16384xi32, #tpu.memory_space<vmem>> -> memref<1x16384xi32, #tpu.memory_space<vmem>>
      %get3A_409 = tpu.memref_squeeze %get3A_408 : memref<1x16384xi32, #tpu.memory_space<vmem>> -> memref<16384xi32, #tpu.memory_space<vmem>>
      %get3A_410 = arith.index_cast %mul3A_406 : i32 to index
      %get3A_411 = tpu.vector_load %get3A_409[%get3A_410] {strides = array<i32>} : memref<16384xi32, #tpu.memory_space<vmem>>, vector<16xi32>,
      %get3A_412 = vector.shape_cast %get3A_411 : vector<16xi32> to vector<16xi32>
      %add3A_413 = arith.addf %add3A_385, %get3A_404 : vector<16xf32>
      %eq3A_414 = arith.constant 1 : i32
      %eq3A_415 = vector.broadcast %eq3A_414 : i32 to vector<16xi32>
      %eq3A_416 = arith.cmpi eq, %get3A_412, %eq3A_415 : vector<16xi32>
      %jit3A_417 = arith.constant 0.000000e+00 : f32
      %broadcast_in_dim3A_418 = vector.broadcast %jit3A_417 : f32 to vector<16xf32>
      %select_n3A_419 = arith.select %eq3A_416, %get3A_404, %broadcast_in_dim3A_418 : vector<16xi1>, vector<16xf32>
      %add3A_420 = arith.addf %add3A_392, %select_n3A_419 : vector<16xf32>
      %convert_element_type3A_421 = arith.sitofp %get3A_412 : vector<16xi32> to vector<16xf32>
      %add3A_422 = arith.addf %add3A_394, %convert_element_type3A_421 : vector<16xf32>
      scf.yield %add3A_413, %add3A_420, %add3A_422 : vector<16xf32>, vector<16xf32>, vector<16xf32>
    }
    %scan3A_158 = arith.constant 1024 : i32
    %dma_wait3A_159 = arith.constant 1 : i32
    %dma_wait3A_160 = arith.constant 0 : i32
    %dma_wait3A_161 = tpu.memref_slice %arg5[%dma_wait3A_159, %dma_wait3A_160] : memref<2x16384xf32, #tpu.memory_space<vmem>> -> memref<1x16384xf32, #tpu.memory_space<vmem>>
    %dma_wait3A_162 = tpu.memref_squeeze %dma_wait3A_161 : memref<1x16384xf32, #tpu.memory_space<vmem>> -> memref<16384xf32, #tpu.memory_space<vmem>>
    %dma_wait3A_163 = tpu.memref_slice %arg2[%add3A_132] : memref<4194304xf32, #tpu.memory_space<hbm>> -> memref<16384xf32, #tpu.memory_space<hbm>>
    %dma_wait3A_164 = arith.constant 0 : i32
    %dma_wait3A_165 = tpu.memref_slice %arg5[%dma_wait3A_159, %dma_wait3A_164] : memref<2x16384xf32, #tpu.memory_space<vmem>> -> memref<1x16384xf32, #tpu.memory_space<vmem>>
    %dma_wait3A_166 = tpu.memref_squeeze %dma_wait3A_165 : memref<1x16384xf32, #tpu.memory_space<vmem>> -> memref<16384xf32, #tpu.memory_space<vmem>>
    %dma_wait3A_167 = tpu.memref_slice %arg2[%add3A_132] : memref<4194304xf32, #tpu.memory_space<hbm>> -> memref<16384xf32, #tpu.memory_space<hbm>>
    tpu.wait_dma2 semaphore(%arg9 : memref<!tpu.dma_semaphore, #tpu.memory_space<semaphore_mem>>) src(%dma_wait3A_167 : memref<16384xf32, #tpu.memory_space<hbm>>) dst(%dma_wait3A_166 : memref<16384xf32, #tpu.memory_space<vmem>>)
    %dma_wait3A_168 = arith.constant 1 : i32
    %dma_wait3A_169 = arith.constant 0 : i32
    %dma_wait3A_170 = tpu.memref_slice %arg6[%dma_wait3A_168, %dma_wait3A_169] : memref<2x16384xi32, #tpu.memory_space<vmem>> -> memref<1x16384xi32, #tpu.memory_space<vmem>>
    %dma_wait3A_171 = tpu.memref_squeeze %dma_wait3A_170 : memref<1x16384xi32, #tpu.memory_space<vmem>> -> memref<16384xi32, #tpu.memory_space<vmem>>
    %dma_wait3A_172 = tpu.memref_slice %arg3[%add3A_132] : memref<4194304xi32, #tpu.memory_space<hbm>> -> memref<16384xi32, #tpu.memory_space<hbm>>
    %dma_wait3A_173 = arith.constant 0 : i32
    %dma_wait3A_174 = tpu.memref_slice %arg6[%dma_wait3A_168, %dma_wait3A_173] : memref<2x16384xi32, #tpu.memory_space<vmem>> -> memref<1x16384xi32, #tpu.memory_space<vmem>>
    %dma_wait3A_175 = tpu.memref_squeeze %dma_wait3A_174 : memref<1x16384xi32, #tpu.memory_space<vmem>> -> memref<16384xi32, #tpu.memory_space<vmem>>
    %dma_wait3A_176 = tpu.memref_slice %arg3[%add3A_132] : memref<4194304xi32, #tpu.memory_space<hbm>> -> memref<16384xi32, #tpu.memory_space<hbm>>
    tpu.wait_dma2 semaphore(%arg11 : memref<!tpu.dma_semaphore, #tpu.memory_space<semaphore_mem>>) src(%dma_wait3A_176 : memref<16384xi32, #tpu.memory_space<hbm>>) dst(%dma_wait3A_175 : memref<16384xi32, #tpu.memory_space<vmem>>)
    %scan3A_177 = arith.constant 1 : i32
    %scan3A_178 = arith.constant 1 : i32
    %scan3A_179 = arith.constant 0 : i32
    %scan3A_180 = arith.constant 1024 : i32
    %scan3A_181 = arith.addi %scan3A_179, %scan3A_180 : i32
    %scan3A_182 = arith.constant 8 : i32
    %scan3A_183:3 = scf.for %scan3A_202 = %scan3A_179 to %scan3A_181 step %scan3A_182 iter_args(%scan3A_203 = %scan3A_157#0, %scan3A_204 = %scan3A_157#1, %scan3A_205 = %scan3A_157#2) -> (vector<16xf32>, vector<16xf32>, vector<16xf32>)  : i32 {
      %mul3A_206 = arith.constant 16 : i32
      %mul3A_207 = arith.muli %scan3A_202, %mul3A_206 : i32
      %get3A = arith.constant 0 : i32
      %get3A_208 = tpu.memref_slice %arg5[%scan3A_177, %get3A] : memref<2x16384xf32, #tpu.memory_space<vmem>> -> memref<1x16384xf32, #tpu.memory_space<vmem>>
      %get3A_209 = tpu.memref_squeeze %get3A_208 : memref<1x16384xf32, #tpu.memory_space<vmem>> -> memref<16384xf32, #tpu.memory_space<vmem>>
      %get3A_210 = arith.index_cast %mul3A_207 : i32 to index
      %get3A_211 = tpu.vector_load %get3A_209[%get3A_210] {strides = array<i32>} : memref<16384xf32, #tpu.memory_space<vmem>>, vector<16xf32>,
      %get3A_212 = vector.shape_cast %get3A_211 : vector<16xf32> to vector<16xf32>
      %mul3A_213 = arith.constant 16 : i32
      %mul3A_214 = arith.muli %scan3A_202, %mul3A_213 : i32
      %get3A_215 = arith.constant 0 : i32
      %get3A_216 = tpu.memref_slice %arg6[%scan3A_178, %get3A_215] : memref<2x16384xi32, #tpu.memory_space<vmem>> -> memref<1x16384xi32, #tpu.memory_space<vmem>>
      %get3A_217 = tpu.memref_squeeze %get3A_216 : memref<1x16384xi32, #tpu.memory_space<vmem>> -> memref<16384xi32, #tpu.memory_space<vmem>>
      %get3A_218 = arith.index_cast %mul3A_214 : i32 to index
      %get3A_219 = tpu.vector_load %get3A_217[%get3A_218] {strides = array<i32>} : memref<16384xi32, #tpu.memory_space<vmem>>, vector<16xi32>,
      %get3A_220 = vector.shape_cast %get3A_219 : vector<16xi32> to vector<16xi32>
      %add3A_221 = arith.addf %scan3A_203, %get3A_212 : vector<16xf32>
      %eq3A = arith.constant 1 : i32
      %eq3A_222 = vector.broadcast %eq3A : i32 to vector<16xi32>
      %eq3A_223 = arith.cmpi eq, %get3A_220, %eq3A_222 : vector<16xi32>
      %jit3A = arith.constant 0.000000e+00 : f32
      %broadcast_in_dim3A_224 = vector.broadcast %jit3A : f32 to vector<16xf32>
      %select_n3A = arith.select %eq3A_223, %get3A_212, %broadcast_in_dim3A_224 : vector<16xi1>, vector<16xf32>
      %add3A_225 = arith.addf %scan3A_204, %select_n3A : vector<16xf32>
      %convert_element_type3A = arith.sitofp %get3A_220 : vector<16xi32> to vector<16xf32>
      %add3A_226 = arith.addf %scan3A_205, %convert_element_type3A : vector<16xf32>
      %scan3A_227 = arith.constant 1 : i32
      %scan3A_228 = arith.addi %scan3A_202, %scan3A_227 : i32
      %mul3A_229 = arith.constant 16 : i32
      %mul3A_230 = arith.muli %scan3A_228, %mul3A_229 : i32
      %get3A_231 = arith.constant 0 : i32
      %get3A_232 = tpu.memref_slice %arg5[%scan3A_177, %get3A_231] : memref<2x16384xf32, #tpu.memory_space<vmem>> -> memref<1x16384xf32, #tpu.memory_space<vmem>>
      %get3A_233 = tpu.memref_squeeze %get3A_232 : memref<1x16384xf32, #tpu.memory_space<vmem>> -> memref<16384xf32, #tpu.memory_space<vmem>>
      %get3A_234 = arith.index_cast %mul3A_230 : i32 to index
      %get3A_235 = tpu.vector_load %get3A_233[%get3A_234] {strides = array<i32>} : memref<16384xf32, #tpu.memory_space<vmem>>, vector<16xf32>,
      %get3A_236 = vector.shape_cast %get3A_235 : vector<16xf32> to vector<16xf32>
      %mul3A_237 = arith.constant 16 : i32
      %mul3A_238 = arith.muli %scan3A_228, %mul3A_237 : i32
      %get3A_239 = arith.constant 0 : i32
      %get3A_240 = tpu.memref_slice %arg6[%scan3A_178, %get3A_239] : memref<2x16384xi32, #tpu.memory_space<vmem>> -> memref<1x16384xi32, #tpu.memory_space<vmem>>
      %get3A_241 = tpu.memref_squeeze %get3A_240 : memref<1x16384xi32, #tpu.memory_space<vmem>> -> memref<16384xi32, #tpu.memory_space<vmem>>
      %get3A_242 = arith.index_cast %mul3A_238 : i32 to index
      %get3A_243 = tpu.vector_load %get3A_241[%get3A_242] {strides = array<i32>} : memref<16384xi32, #tpu.memory_space<vmem>>, vector<16xi32>,
      %get3A_244 = vector.shape_cast %get3A_243 : vector<16xi32> to vector<16xi32>
      %add3A_245 = arith.addf %add3A_221, %get3A_236 : vector<16xf32>
      %eq3A_246 = arith.constant 1 : i32
      %eq3A_247 = vector.broadcast %eq3A_246 : i32 to vector<16xi32>
      %eq3A_248 = arith.cmpi eq, %get3A_244, %eq3A_247 : vector<16xi32>
      %jit3A_249 = arith.constant 0.000000e+00 : f32
      %broadcast_in_dim3A_250 = vector.broadcast %jit3A_249 : f32 to vector<16xf32>
      %select_n3A_251 = arith.select %eq3A_248, %get3A_236, %broadcast_in_dim3A_250 : vector<16xi1>, vector<16xf32>
      %add3A_252 = arith.addf %add3A_225, %select_n3A_251 : vector<16xf32>
      %convert_element_type3A_253 = arith.sitofp %get3A_244 : vector<16xi32> to vector<16xf32>
      %add3A_254 = arith.addf %add3A_226, %convert_element_type3A_253 : vector<16xf32>
      %scan3A_255 = arith.constant 2 : i32
      %scan3A_256 = arith.addi %scan3A_202, %scan3A_255 : i32
      %mul3A_257 = arith.constant 16 : i32
      %mul3A_258 = arith.muli %scan3A_256, %mul3A_257 : i32
      %get3A_259 = arith.constant 0 : i32
      %get3A_260 = tpu.memref_slice %arg5[%scan3A_177, %get3A_259] : memref<2x16384xf32, #tpu.memory_space<vmem>> -> memref<1x16384xf32, #tpu.memory_space<vmem>>
      %get3A_261 = tpu.memref_squeeze %get3A_260 : memref<1x16384xf32, #tpu.memory_space<vmem>> -> memref<16384xf32, #tpu.memory_space<vmem>>
      %get3A_262 = arith.index_cast %mul3A_258 : i32 to index
      %get3A_263 = tpu.vector_load %get3A_261[%get3A_262] {strides = array<i32>} : memref<16384xf32, #tpu.memory_space<vmem>>, vector<16xf32>,
      %get3A_264 = vector.shape_cast %get3A_263 : vector<16xf32> to vector<16xf32>
      %mul3A_265 = arith.constant 16 : i32
      %mul3A_266 = arith.muli %scan3A_256, %mul3A_265 : i32
      %get3A_267 = arith.constant 0 : i32
      %get3A_268 = tpu.memref_slice %arg6[%scan3A_178, %get3A_267] : memref<2x16384xi32, #tpu.memory_space<vmem>> -> memref<1x16384xi32, #tpu.memory_space<vmem>>
      %get3A_269 = tpu.memref_squeeze %get3A_268 : memref<1x16384xi32, #tpu.memory_space<vmem>> -> memref<16384xi32, #tpu.memory_space<vmem>>
      %get3A_270 = arith.index_cast %mul3A_266 : i32 to index
      %get3A_271 = tpu.vector_load %get3A_269[%get3A_270] {strides = array<i32>} : memref<16384xi32, #tpu.memory_space<vmem>>, vector<16xi32>,
      %get3A_272 = vector.shape_cast %get3A_271 : vector<16xi32> to vector<16xi32>
      %add3A_273 = arith.addf %add3A_245, %get3A_264 : vector<16xf32>
      %eq3A_274 = arith.constant 1 : i32
      %eq3A_275 = vector.broadcast %eq3A_274 : i32 to vector<16xi32>
      %eq3A_276 = arith.cmpi eq, %get3A_272, %eq3A_275 : vector<16xi32>
      %jit3A_277 = arith.constant 0.000000e+00 : f32
      %broadcast_in_dim3A_278 = vector.broadcast %jit3A_277 : f32 to vector<16xf32>
      %select_n3A_279 = arith.select %eq3A_276, %get3A_264, %broadcast_in_dim3A_278 : vector<16xi1>, vector<16xf32>
      %add3A_280 = arith.addf %add3A_252, %select_n3A_279 : vector<16xf32>
      %convert_element_type3A_281 = arith.sitofp %get3A_272 : vector<16xi32> to vector<16xf32>
      %add3A_282 = arith.addf %add3A_254, %convert_element_type3A_281 : vector<16xf32>
      %scan3A_283 = arith.constant 3 : i32
      %scan3A_284 = arith.addi %scan3A_202, %scan3A_283 : i32
      %mul3A_285 = arith.constant 16 : i32
      %mul3A_286 = arith.muli %scan3A_284, %mul3A_285 : i32
      %get3A_287 = arith.constant 0 : i32
      %get3A_288 = tpu.memref_slice %arg5[%scan3A_177, %get3A_287] : memref<2x16384xf32, #tpu.memory_space<vmem>> -> memref<1x16384xf32, #tpu.memory_space<vmem>>
      %get3A_289 = tpu.memref_squeeze %get3A_288 : memref<1x16384xf32, #tpu.memory_space<vmem>> -> memref<16384xf32, #tpu.memory_space<vmem>>
      %get3A_290 = arith.index_cast %mul3A_286 : i32 to index
      %get3A_291 = tpu.vector_load %get3A_289[%get3A_290] {strides = array<i32>} : memref<16384xf32, #tpu.memory_space<vmem>>, vector<16xf32>,
      %get3A_292 = vector.shape_cast %get3A_291 : vector<16xf32> to vector<16xf32>
      %mul3A_293 = arith.constant 16 : i32
      %mul3A_294 = arith.muli %scan3A_284, %mul3A_293 : i32
      %get3A_295 = arith.constant 0 : i32
      %get3A_296 = tpu.memref_slice %arg6[%scan3A_178, %get3A_295] : memref<2x16384xi32, #tpu.memory_space<vmem>> -> memref<1x16384xi32, #tpu.memory_space<vmem>>
      %get3A_297 = tpu.memref_squeeze %get3A_296 : memref<1x16384xi32, #tpu.memory_space<vmem>> -> memref<16384xi32, #tpu.memory_space<vmem>>
      %get3A_298 = arith.index_cast %mul3A_294 : i32 to index
      %get3A_299 = tpu.vector_load %get3A_297[%get3A_298] {strides = array<i32>} : memref<16384xi32, #tpu.memory_space<vmem>>, vector<16xi32>,
      %get3A_300 = vector.shape_cast %get3A_299 : vector<16xi32> to vector<16xi32>
      %add3A_301 = arith.addf %add3A_273, %get3A_292 : vector<16xf32>
      %eq3A_302 = arith.constant 1 : i32
      %eq3A_303 = vector.broadcast %eq3A_302 : i32 to vector<16xi32>
      %eq3A_304 = arith.cmpi eq, %get3A_300, %eq3A_303 : vector<16xi32>
      %jit3A_305 = arith.constant 0.000000e+00 : f32
      %broadcast_in_dim3A_306 = vector.broadcast %jit3A_305 : f32 to vector<16xf32>
      %select_n3A_307 = arith.select %eq3A_304, %get3A_292, %broadcast_in_dim3A_306 : vector<16xi1>, vector<16xf32>
      %add3A_308 = arith.addf %add3A_280, %select_n3A_307 : vector<16xf32>
      %convert_element_type3A_309 = arith.sitofp %get3A_300 : vector<16xi32> to vector<16xf32>
      %add3A_310 = arith.addf %add3A_282, %convert_element_type3A_309 : vector<16xf32>
      %scan3A_311 = arith.constant 4 : i32
      %scan3A_312 = arith.addi %scan3A_202, %scan3A_311 : i32
      %mul3A_313 = arith.constant 16 : i32
      %mul3A_314 = arith.muli %scan3A_312, %mul3A_313 : i32
      %get3A_315 = arith.constant 0 : i32
      %get3A_316 = tpu.memref_slice %arg5[%scan3A_177, %get3A_315] : memref<2x16384xf32, #tpu.memory_space<vmem>> -> memref<1x16384xf32, #tpu.memory_space<vmem>>
      %get3A_317 = tpu.memref_squeeze %get3A_316 : memref<1x16384xf32, #tpu.memory_space<vmem>> -> memref<16384xf32, #tpu.memory_space<vmem>>
      %get3A_318 = arith.index_cast %mul3A_314 : i32 to index
      %get3A_319 = tpu.vector_load %get3A_317[%get3A_318] {strides = array<i32>} : memref<16384xf32, #tpu.memory_space<vmem>>, vector<16xf32>,
      %get3A_320 = vector.shape_cast %get3A_319 : vector<16xf32> to vector<16xf32>
      %mul3A_321 = arith.constant 16 : i32
      %mul3A_322 = arith.muli %scan3A_312, %mul3A_321 : i32
      %get3A_323 = arith.constant 0 : i32
      %get3A_324 = tpu.memref_slice %arg6[%scan3A_178, %get3A_323] : memref<2x16384xi32, #tpu.memory_space<vmem>> -> memref<1x16384xi32, #tpu.memory_space<vmem>>
      %get3A_325 = tpu.memref_squeeze %get3A_324 : memref<1x16384xi32, #tpu.memory_space<vmem>> -> memref<16384xi32, #tpu.memory_space<vmem>>
      %get3A_326 = arith.index_cast %mul3A_322 : i32 to index
      %get3A_327 = tpu.vector_load %get3A_325[%get3A_326] {strides = array<i32>} : memref<16384xi32, #tpu.memory_space<vmem>>, vector<16xi32>,
      %get3A_328 = vector.shape_cast %get3A_327 : vector<16xi32> to vector<16xi32>
      %add3A_329 = arith.addf %add3A_301, %get3A_320 : vector<16xf32>
      %eq3A_330 = arith.constant 1 : i32
      %eq3A_331 = vector.broadcast %eq3A_330 : i32 to vector<16xi32>
      %eq3A_332 = arith.cmpi eq, %get3A_328, %eq3A_331 : vector<16xi32>
      %jit3A_333 = arith.constant 0.000000e+00 : f32
      %broadcast_in_dim3A_334 = vector.broadcast %jit3A_333 : f32 to vector<16xf32>
      %select_n3A_335 = arith.select %eq3A_332, %get3A_320, %broadcast_in_dim3A_334 : vector<16xi1>, vector<16xf32>
      %add3A_336 = arith.addf %add3A_308, %select_n3A_335 : vector<16xf32>
      %convert_element_type3A_337 = arith.sitofp %get3A_328 : vector<16xi32> to vector<16xf32>
      %add3A_338 = arith.addf %add3A_310, %convert_element_type3A_337 : vector<16xf32>
      %scan3A_339 = arith.constant 5 : i32
      %scan3A_340 = arith.addi %scan3A_202, %scan3A_339 : i32
      %mul3A_341 = arith.constant 16 : i32
      %mul3A_342 = arith.muli %scan3A_340, %mul3A_341 : i32
      %get3A_343 = arith.constant 0 : i32
      %get3A_344 = tpu.memref_slice %arg5[%scan3A_177, %get3A_343] : memref<2x16384xf32, #tpu.memory_space<vmem>> -> memref<1x16384xf32, #tpu.memory_space<vmem>>
      %get3A_345 = tpu.memref_squeeze %get3A_344 : memref<1x16384xf32, #tpu.memory_space<vmem>> -> memref<16384xf32, #tpu.memory_space<vmem>>
      %get3A_346 = arith.index_cast %mul3A_342 : i32 to index
      %get3A_347 = tpu.vector_load %get3A_345[%get3A_346] {strides = array<i32>} : memref<16384xf32, #tpu.memory_space<vmem>>, vector<16xf32>,
      %get3A_348 = vector.shape_cast %get3A_347 : vector<16xf32> to vector<16xf32>
      %mul3A_349 = arith.constant 16 : i32
      %mul3A_350 = arith.muli %scan3A_340, %mul3A_349 : i32
      %get3A_351 = arith.constant 0 : i32
      %get3A_352 = tpu.memref_slice %arg6[%scan3A_178, %get3A_351] : memref<2x16384xi32, #tpu.memory_space<vmem>> -> memref<1x16384xi32, #tpu.memory_space<vmem>>
      %get3A_353 = tpu.memref_squeeze %get3A_352 : memref<1x16384xi32, #tpu.memory_space<vmem>> -> memref<16384xi32, #tpu.memory_space<vmem>>
      %get3A_354 = arith.index_cast %mul3A_350 : i32 to index
      %get3A_355 = tpu.vector_load %get3A_353[%get3A_354] {strides = array<i32>} : memref<16384xi32, #tpu.memory_space<vmem>>, vector<16xi32>,
      %get3A_356 = vector.shape_cast %get3A_355 : vector<16xi32> to vector<16xi32>
      %add3A_357 = arith.addf %add3A_329, %get3A_348 : vector<16xf32>
      %eq3A_358 = arith.constant 1 : i32
      %eq3A_359 = vector.broadcast %eq3A_358 : i32 to vector<16xi32>
      %eq3A_360 = arith.cmpi eq, %get3A_356, %eq3A_359 : vector<16xi32>
      %jit3A_361 = arith.constant 0.000000e+00 : f32
      %broadcast_in_dim3A_362 = vector.broadcast %jit3A_361 : f32 to vector<16xf32>
      %select_n3A_363 = arith.select %eq3A_360, %get3A_348, %broadcast_in_dim3A_362 : vector<16xi1>, vector<16xf32>
      %add3A_364 = arith.addf %add3A_336, %select_n3A_363 : vector<16xf32>
      %convert_element_type3A_365 = arith.sitofp %get3A_356 : vector<16xi32> to vector<16xf32>
      %add3A_366 = arith.addf %add3A_338, %convert_element_type3A_365 : vector<16xf32>
      %scan3A_367 = arith.constant 6 : i32
      %scan3A_368 = arith.addi %scan3A_202, %scan3A_367 : i32
      %mul3A_369 = arith.constant 16 : i32
      %mul3A_370 = arith.muli %scan3A_368, %mul3A_369 : i32
      %get3A_371 = arith.constant 0 : i32
      %get3A_372 = tpu.memref_slice %arg5[%scan3A_177, %get3A_371] : memref<2x16384xf32, #tpu.memory_space<vmem>> -> memref<1x16384xf32, #tpu.memory_space<vmem>>
      %get3A_373 = tpu.memref_squeeze %get3A_372 : memref<1x16384xf32, #tpu.memory_space<vmem>> -> memref<16384xf32, #tpu.memory_space<vmem>>
      %get3A_374 = arith.index_cast %mul3A_370 : i32 to index
      %get3A_375 = tpu.vector_load %get3A_373[%get3A_374] {strides = array<i32>} : memref<16384xf32, #tpu.memory_space<vmem>>, vector<16xf32>,
      %get3A_376 = vector.shape_cast %get3A_375 : vector<16xf32> to vector<16xf32>
      %mul3A_377 = arith.constant 16 : i32
      %mul3A_378 = arith.muli %scan3A_368, %mul3A_377 : i32
      %get3A_379 = arith.constant 0 : i32
      %get3A_380 = tpu.memref_slice %arg6[%scan3A_178, %get3A_379] : memref<2x16384xi32, #tpu.memory_space<vmem>> -> memref<1x16384xi32, #tpu.memory_space<vmem>>
      %get3A_381 = tpu.memref_squeeze %get3A_380 : memref<1x16384xi32, #tpu.memory_space<vmem>> -> memref<16384xi32, #tpu.memory_space<vmem>>
      %get3A_382 = arith.index_cast %mul3A_378 : i32 to index
      %get3A_383 = tpu.vector_load %get3A_381[%get3A_382] {strides = array<i32>} : memref<16384xi32, #tpu.memory_space<vmem>>, vector<16xi32>,
      %get3A_384 = vector.shape_cast %get3A_383 : vector<16xi32> to vector<16xi32>
      %add3A_385 = arith.addf %add3A_357, %get3A_376 : vector<16xf32>
      %eq3A_386 = arith.constant 1 : i32
      %eq3A_387 = vector.broadcast %eq3A_386 : i32 to vector<16xi32>
      %eq3A_388 = arith.cmpi eq, %get3A_384, %eq3A_387 : vector<16xi32>
      %jit3A_389 = arith.constant 0.000000e+00 : f32
      %broadcast_in_dim3A_390 = vector.broadcast %jit3A_389 : f32 to vector<16xf32>
      %select_n3A_391 = arith.select %eq3A_388, %get3A_376, %broadcast_in_dim3A_390 : vector<16xi1>, vector<16xf32>
      %add3A_392 = arith.addf %add3A_364, %select_n3A_391 : vector<16xf32>
      %convert_element_type3A_393 = arith.sitofp %get3A_384 : vector<16xi32> to vector<16xf32>
      %add3A_394 = arith.addf %add3A_366, %convert_element_type3A_393 : vector<16xf32>
      %scan3A_395 = arith.constant 7 : i32
      %scan3A_396 = arith.addi %scan3A_202, %scan3A_395 : i32
      %mul3A_397 = arith.constant 16 : i32
      %mul3A_398 = arith.muli %scan3A_396, %mul3A_397 : i32
      %get3A_399 = arith.constant 0 : i32
      %get3A_400 = tpu.memref_slice %arg5[%scan3A_177, %get3A_399] : memref<2x16384xf32, #tpu.memory_space<vmem>> -> memref<1x16384xf32, #tpu.memory_space<vmem>>
      %get3A_401 = tpu.memref_squeeze %get3A_400 : memref<1x16384xf32, #tpu.memory_space<vmem>> -> memref<16384xf32, #tpu.memory_space<vmem>>
      %get3A_402 = arith.index_cast %mul3A_398 : i32 to index
      %get3A_403 = tpu.vector_load %get3A_401[%get3A_402] {strides = array<i32>} : memref<16384xf32, #tpu.memory_space<vmem>>, vector<16xf32>,
      %get3A_404 = vector.shape_cast %get3A_403 : vector<16xf32> to vector<16xf32>
      %mul3A_405 = arith.constant 16 : i32
      %mul3A_406 = arith.muli %scan3A_396, %mul3A_405 : i32
      %get3A_407 = arith.constant 0 : i32
      %get3A_408 = tpu.memref_slice %arg6[%scan3A_178, %get3A_407] : memref<2x16384xi32, #tpu.memory_space<vmem>> -> memref<1x16384xi32, #tpu.memory_space<vmem>>
      %get3A_409 = tpu.memref_squeeze %get3A_408 : memref<1x16384xi32, #tpu.memory_space<vmem>> -> memref<16384xi32, #tpu.memory_space<vmem>>
      %get3A_410 = arith.index_cast %mul3A_406 : i32 to index
      %get3A_411 = tpu.vector_load %get3A_409[%get3A_410] {strides = array<i32>} : memref<16384xi32, #tpu.memory_space<vmem>>, vector<16xi32>,
      %get3A_412 = vector.shape_cast %get3A_411 : vector<16xi32> to vector<16xi32>
      %add3A_413 = arith.addf %add3A_385, %get3A_404 : vector<16xf32>
      %eq3A_414 = arith.constant 1 : i32
      %eq3A_415 = vector.broadcast %eq3A_414 : i32 to vector<16xi32>
      %eq3A_416 = arith.cmpi eq, %get3A_412, %eq3A_415 : vector<16xi32>
      %jit3A_417 = arith.constant 0.000000e+00 : f32
      %broadcast_in_dim3A_418 = vector.broadcast %jit3A_417 : f32 to vector<16xf32>
      %select_n3A_419 = arith.select %eq3A_416, %get3A_404, %broadcast_in_dim3A_418 : vector<16xi1>, vector<16xf32>
      %add3A_420 = arith.addf %add3A_392, %select_n3A_419 : vector<16xf32>
      %convert_element_type3A_421 = arith.sitofp %get3A_412 : vector<16xi32> to vector<16xf32>
      %add3A_422 = arith.addf %add3A_394, %convert_element_type3A_421 : vector<16xf32>
      scf.yield %add3A_413, %add3A_420, %add3A_422 : vector<16xf32>, vector<16xf32>, vector<16xf32>
    }
    %scan3A_184 = arith.constant 1024 : i32
    %swap3A = arith.constant 0 : i32
    %swap3A_185 = arith.index_cast %swap3A : i32 to index
    %swap3A_186 = arith.constant 0 : index
    %swap3A_187 = tpu.vector_load %arg7[%swap3A_185, %swap3A_186] {strides = array<i32>} : memref<3x16xf32, #tpu.memory_space<vmem>>, vector<1x16xf32>,
    %swap3A_188 = vector.shape_cast %swap3A_187 : vector<1x16xf32> to vector<16xf32>
    %swap3A_189 = vector.shape_cast %scan3A_183#0 : vector<16xf32> to vector<1x16xf32>
    tpu.vector_store %arg7[%swap3A_185, %swap3A_186], %swap3A_189 {strides = array<i32>} : memref<3x16xf32, #tpu.memory_space<vmem>>, vector<1x16xf32>,
    %swap3A_190 = arith.constant 1 : i32
    %swap3A_191 = arith.index_cast %swap3A_190 : i32 to index
    %swap3A_192 = arith.constant 0 : index
    %swap3A_193 = tpu.vector_load %arg7[%swap3A_191, %swap3A_192] {strides = array<i32>} : memref<3x16xf32, #tpu.memory_space<vmem>>, vector<1x16xf32>,
    %swap3A_194 = vector.shape_cast %swap3A_193 : vector<1x16xf32> to vector<16xf32>
    %swap3A_195 = vector.shape_cast %scan3A_183#1 : vector<16xf32> to vector<1x16xf32>
    tpu.vector_store %arg7[%swap3A_191, %swap3A_192], %swap3A_195 {strides = array<i32>} : memref<3x16xf32, #tpu.memory_space<vmem>>, vector<1x16xf32>,
    %swap3A_196 = arith.constant 2 : i32
    %swap3A_197 = arith.index_cast %swap3A_196 : i32 to index
    %swap3A_198 = arith.constant 0 : index
    %swap3A_199 = tpu.vector_load %arg7[%swap3A_197, %swap3A_198] {strides = array<i32>} : memref<3x16xf32, #tpu.memory_space<vmem>>, vector<1x16xf32>,
    %swap3A_200 = vector.shape_cast %swap3A_199 : vector<1x16xf32> to vector<16xf32>
    %swap3A_201 = vector.shape_cast %scan3A_183#2 : vector<16xf32> to vector<1x16xf32>
    tpu.vector_store %arg7[%swap3A_197, %swap3A_198], %swap3A_201 {strides = array<i32>} : memref<3x16xf32, #tpu.memory_space<vmem>>, vector<1x16xf32>,
    "tpu.region"() ({
      %run_scoped3A = tpu.sem_alloc : memref<!tpu.dma_semaphore, #tpu.memory_space<semaphore_mem>>
      %dma_start3A_202 = arith.constant 0 : i32
      %dma_start3A_203 = arith.constant 0 : i32
      %dma_start3A_204 = tpu.memref_slice %arg4[%add3A, %dma_start3A_202, %dma_start3A_203] : memref<32x3x16xf32, #tpu.memory_space<hbm>> -> memref<1x3x16xf32, #tpu.memory_space<hbm>>
      %dma_start3A_205 = tpu.memref_squeeze %dma_start3A_204 : memref<1x3x16xf32, #tpu.memory_space<hbm>> -> memref<3x16xf32, #tpu.memory_space<hbm>>
      %dma_start3A_206 = arith.constant 0 : i32
      %dma_start3A_207 = arith.constant 0 : i32
      %dma_start3A_208 = tpu.memref_slice %arg4[%add3A, %dma_start3A_206, %dma_start3A_207] : memref<32x3x16xf32, #tpu.memory_space<hbm>> -> memref<1x3x16xf32, #tpu.memory_space<hbm>>
      %dma_start3A_209 = tpu.memref_squeeze %dma_start3A_208 : memref<1x3x16xf32, #tpu.memory_space<hbm>> -> memref<3x16xf32, #tpu.memory_space<hbm>>
      tpu.enqueue_dma source(%arg7 : memref<3x16xf32, #tpu.memory_space<vmem>>) target(%dma_start3A_209 : memref<3x16xf32, #tpu.memory_space<hbm>>) target_semaphore(%run_scoped3A : memref<!tpu.dma_semaphore, #tpu.memory_space<semaphore_mem>>)
      %dma_wait3A_210 = arith.constant 0 : i32
      %dma_wait3A_211 = arith.constant 0 : i32
      %dma_wait3A_212 = tpu.memref_slice %arg4[%add3A, %dma_wait3A_210, %dma_wait3A_211] : memref<32x3x16xf32, #tpu.memory_space<hbm>> -> memref<1x3x16xf32, #tpu.memory_space<hbm>>
      %dma_wait3A_213 = tpu.memref_squeeze %dma_wait3A_212 : memref<1x3x16xf32, #tpu.memory_space<hbm>> -> memref<3x16xf32, #tpu.memory_space<hbm>>
      %dma_wait3A_214 = arith.constant 0 : i32
      %dma_wait3A_215 = arith.constant 0 : i32
      %dma_wait3A_216 = tpu.memref_slice %arg4[%add3A, %dma_wait3A_214, %dma_wait3A_215] : memref<32x3x16xf32, #tpu.memory_space<hbm>> -> memref<1x3x16xf32, #tpu.memory_space<hbm>>
      %dma_wait3A_217 = tpu.memref_squeeze %dma_wait3A_216 : memref<1x3x16xf32, #tpu.memory_space<hbm>> -> memref<3x16xf32, #tpu.memory_space<hbm>>
      tpu.wait_dma2 semaphore(%run_scoped3A : memref<!tpu.dma_semaphore, #tpu.memory_space<semaphore_mem>>) src(%arg7 : memref<3x16xf32, #tpu.memory_space<vmem>>) dst(%dma_wait3A_217 : memref<3x16xf32, #tpu.memory_space<hbm>>)
      tpu.yield
    }) : () -> ()
    return
  }
}

module attributes {stable_mosaic.version = 14 : i64} {
  func.func @_tc_body(%arg0: memref<4096x1024xf32, #tpu.memory_space<any>>, %arg1: memref<4096x1024xi32, #tpu.memory_space<any>>, %arg2: memref<1x1xf32, #tpu.memory_space<smem>>, %arg3: memref<1x1xf32, #tpu.memory_space<smem>>, %arg4: memref<1x1xf32, #tpu.memory_space<smem>>, %arg5: memref<4x512x1024xf32, #tpu.memory_space<vmem>>, %arg6: memref<4x512x1024xi32, #tpu.memory_space<vmem>>, %arg7: memref<4x!tpu.dma_semaphore, #tpu.memory_space<semaphore_mem>>, %arg8: memref<4x!tpu.dma_semaphore, #tpu.memory_space<semaphore_mem>>) attributes {dimension_semantics = [], scalar_prefetch = 0 : i64, scratch_operands = 4 : i64, tpu.core_type = #tpu.core_type<tc>} {
    %dma_start3A = arith.constant 0 : i32
    %dma_start3A_0 = arith.constant 0 : i32
    %dma_start3A_1 = tpu.memref_slice %arg7[%dma_start3A_0] : memref<4x!tpu.dma_semaphore, #tpu.memory_space<semaphore_mem>> -> memref<1x!tpu.dma_semaphore, #tpu.memory_space<semaphore_mem>>
    %dma_start3A_2 = tpu.memref_squeeze %dma_start3A_1 : memref<1x!tpu.dma_semaphore, #tpu.memory_space<semaphore_mem>> -> memref<!tpu.dma_semaphore, #tpu.memory_space<semaphore_mem>>
    %dma_start3A_3 = arith.constant 0 : i32
    %dma_start3A_4 = arith.constant 0 : i32
    %dma_start3A_5 = tpu.memref_slice %arg5[%dma_start3A, %dma_start3A_3, %dma_start3A_4] : memref<4x512x1024xf32, #tpu.memory_space<vmem>> -> memref<1x512x1024xf32, #tpu.memory_space<vmem>>
    %dma_start3A_6 = tpu.memref_squeeze %dma_start3A_5 : memref<1x512x1024xf32, #tpu.memory_space<vmem>> -> memref<512x1024xf32, #tpu.memory_space<vmem>>
    %dma_start3A_7 = arith.constant 2048 : i32
    %dma_start3A_8 = arith.constant 0 : i32
    %dma_start3A_9 = tpu.memref_slice %arg0[%dma_start3A_7, %dma_start3A_8] : memref<4096x1024xf32, #tpu.memory_space<any>> -> memref<512x1024xf32, #tpu.memory_space<any>>
    tpu.enqueue_dma source(%dma_start3A_9 : memref<512x1024xf32, #tpu.memory_space<any>>) target(%dma_start3A_6 : memref<512x1024xf32, #tpu.memory_space<vmem>>) target_semaphore(%dma_start3A_2 : memref<!tpu.dma_semaphore, #tpu.memory_space<semaphore_mem>>)
    %dma_start3A_10 = arith.constant 0 : i32
    %dma_start3A_11 = arith.constant 0 : i32
    %dma_start3A_12 = tpu.memref_slice %arg8[%dma_start3A_11] : memref<4x!tpu.dma_semaphore, #tpu.memory_space<semaphore_mem>> -> memref<1x!tpu.dma_semaphore, #tpu.memory_space<semaphore_mem>>
    %dma_start3A_13 = tpu.memref_squeeze %dma_start3A_12 : memref<1x!tpu.dma_semaphore, #tpu.memory_space<semaphore_mem>> -> memref<!tpu.dma_semaphore, #tpu.memory_space<semaphore_mem>>
    %dma_start3A_14 = arith.constant 0 : i32
    %dma_start3A_15 = arith.constant 0 : i32
    %dma_start3A_16 = tpu.memref_slice %arg6[%dma_start3A_10, %dma_start3A_14, %dma_start3A_15] : memref<4x512x1024xi32, #tpu.memory_space<vmem>> -> memref<1x512x1024xi32, #tpu.memory_space<vmem>>
    %dma_start3A_17 = tpu.memref_squeeze %dma_start3A_16 : memref<1x512x1024xi32, #tpu.memory_space<vmem>> -> memref<512x1024xi32, #tpu.memory_space<vmem>>
    %dma_start3A_18 = arith.constant 2048 : i32
    %dma_start3A_19 = arith.constant 0 : i32
    %dma_start3A_20 = tpu.memref_slice %arg1[%dma_start3A_18, %dma_start3A_19] : memref<4096x1024xi32, #tpu.memory_space<any>> -> memref<512x1024xi32, #tpu.memory_space<any>>
    tpu.enqueue_dma source(%dma_start3A_20 : memref<512x1024xi32, #tpu.memory_space<any>>) target(%dma_start3A_17 : memref<512x1024xi32, #tpu.memory_space<vmem>>) target_semaphore(%dma_start3A_13 : memref<!tpu.dma_semaphore, #tpu.memory_space<semaphore_mem>>) {priority = 1 : i32}
    %dma_start3A_21 = arith.constant 1 : i32
    %dma_start3A_22 = arith.constant 1 : i32
    %dma_start3A_23 = tpu.memref_slice %arg7[%dma_start3A_22] : memref<4x!tpu.dma_semaphore, #tpu.memory_space<semaphore_mem>> -> memref<1x!tpu.dma_semaphore, #tpu.memory_space<semaphore_mem>>
    %dma_start3A_24 = tpu.memref_squeeze %dma_start3A_23 : memref<1x!tpu.dma_semaphore, #tpu.memory_space<semaphore_mem>> -> memref<!tpu.dma_semaphore, #tpu.memory_space<semaphore_mem>>
    %dma_start3A_25 = arith.constant 0 : i32
    %dma_start3A_26 = arith.constant 0 : i32
    %dma_start3A_27 = tpu.memref_slice %arg5[%dma_start3A_21, %dma_start3A_25, %dma_start3A_26] : memref<4x512x1024xf32, #tpu.memory_space<vmem>> -> memref<1x512x1024xf32, #tpu.memory_space<vmem>>
    %dma_start3A_28 = tpu.memref_squeeze %dma_start3A_27 : memref<1x512x1024xf32, #tpu.memory_space<vmem>> -> memref<512x1024xf32, #tpu.memory_space<vmem>>
    %dma_start3A_29 = arith.constant 2560 : i32
    %dma_start3A_30 = arith.constant 0 : i32
    %dma_start3A_31 = tpu.memref_slice %arg0[%dma_start3A_29, %dma_start3A_30] : memref<4096x1024xf32, #tpu.memory_space<any>> -> memref<512x1024xf32, #tpu.memory_space<any>>
    tpu.enqueue_dma source(%dma_start3A_31 : memref<512x1024xf32, #tpu.memory_space<any>>) target(%dma_start3A_28 : memref<512x1024xf32, #tpu.memory_space<vmem>>) target_semaphore(%dma_start3A_24 : memref<!tpu.dma_semaphore, #tpu.memory_space<semaphore_mem>>)
    %dma_start3A_32 = arith.constant 1 : i32
    %dma_start3A_33 = arith.constant 1 : i32
    %dma_start3A_34 = tpu.memref_slice %arg8[%dma_start3A_33] : memref<4x!tpu.dma_semaphore, #tpu.memory_space<semaphore_mem>> -> memref<1x!tpu.dma_semaphore, #tpu.memory_space<semaphore_mem>>
    %dma_start3A_35 = tpu.memref_squeeze %dma_start3A_34 : memref<1x!tpu.dma_semaphore, #tpu.memory_space<semaphore_mem>> -> memref<!tpu.dma_semaphore, #tpu.memory_space<semaphore_mem>>
    %dma_start3A_36 = arith.constant 0 : i32
    %dma_start3A_37 = arith.constant 0 : i32
    %dma_start3A_38 = tpu.memref_slice %arg6[%dma_start3A_32, %dma_start3A_36, %dma_start3A_37] : memref<4x512x1024xi32, #tpu.memory_space<vmem>> -> memref<1x512x1024xi32, #tpu.memory_space<vmem>>
    %dma_start3A_39 = tpu.memref_squeeze %dma_start3A_38 : memref<1x512x1024xi32, #tpu.memory_space<vmem>> -> memref<512x1024xi32, #tpu.memory_space<vmem>>
    %dma_start3A_40 = arith.constant 2560 : i32
    %dma_start3A_41 = arith.constant 0 : i32
    %dma_start3A_42 = tpu.memref_slice %arg1[%dma_start3A_40, %dma_start3A_41] : memref<4096x1024xi32, #tpu.memory_space<any>> -> memref<512x1024xi32, #tpu.memory_space<any>>
    tpu.enqueue_dma source(%dma_start3A_42 : memref<512x1024xi32, #tpu.memory_space<any>>) target(%dma_start3A_39 : memref<512x1024xi32, #tpu.memory_space<vmem>>) target_semaphore(%dma_start3A_35 : memref<!tpu.dma_semaphore, #tpu.memory_space<semaphore_mem>>) {priority = 1 : i32}
    %dma_start3A_43 = arith.constant 2 : i32
    %dma_start3A_44 = arith.constant 2 : i32
    %dma_start3A_45 = tpu.memref_slice %arg7[%dma_start3A_44] : memref<4x!tpu.dma_semaphore, #tpu.memory_space<semaphore_mem>> -> memref<1x!tpu.dma_semaphore, #tpu.memory_space<semaphore_mem>>
    %dma_start3A_46 = tpu.memref_squeeze %dma_start3A_45 : memref<1x!tpu.dma_semaphore, #tpu.memory_space<semaphore_mem>> -> memref<!tpu.dma_semaphore, #tpu.memory_space<semaphore_mem>>
    %dma_start3A_47 = arith.constant 0 : i32
    %dma_start3A_48 = arith.constant 0 : i32
    %dma_start3A_49 = tpu.memref_slice %arg5[%dma_start3A_43, %dma_start3A_47, %dma_start3A_48] : memref<4x512x1024xf32, #tpu.memory_space<vmem>> -> memref<1x512x1024xf32, #tpu.memory_space<vmem>>
    %dma_start3A_50 = tpu.memref_squeeze %dma_start3A_49 : memref<1x512x1024xf32, #tpu.memory_space<vmem>> -> memref<512x1024xf32, #tpu.memory_space<vmem>>
    %dma_start3A_51 = arith.constant 3072 : i32
    %dma_start3A_52 = arith.constant 0 : i32
    %dma_start3A_53 = tpu.memref_slice %arg0[%dma_start3A_51, %dma_start3A_52] : memref<4096x1024xf32, #tpu.memory_space<any>> -> memref<512x1024xf32, #tpu.memory_space<any>>
    tpu.enqueue_dma source(%dma_start3A_53 : memref<512x1024xf32, #tpu.memory_space<any>>) target(%dma_start3A_50 : memref<512x1024xf32, #tpu.memory_space<vmem>>) target_semaphore(%dma_start3A_46 : memref<!tpu.dma_semaphore, #tpu.memory_space<semaphore_mem>>)
    %dma_start3A_54 = arith.constant 2 : i32
    %dma_start3A_55 = arith.constant 2 : i32
    %dma_start3A_56 = tpu.memref_slice %arg8[%dma_start3A_55] : memref<4x!tpu.dma_semaphore, #tpu.memory_space<semaphore_mem>> -> memref<1x!tpu.dma_semaphore, #tpu.memory_space<semaphore_mem>>
    %dma_start3A_57 = tpu.memref_squeeze %dma_start3A_56 : memref<1x!tpu.dma_semaphore, #tpu.memory_space<semaphore_mem>> -> memref<!tpu.dma_semaphore, #tpu.memory_space<semaphore_mem>>
    %dma_start3A_58 = arith.constant 0 : i32
    %dma_start3A_59 = arith.constant 0 : i32
    %dma_start3A_60 = tpu.memref_slice %arg6[%dma_start3A_54, %dma_start3A_58, %dma_start3A_59] : memref<4x512x1024xi32, #tpu.memory_space<vmem>> -> memref<1x512x1024xi32, #tpu.memory_space<vmem>>
    %dma_start3A_61 = tpu.memref_squeeze %dma_start3A_60 : memref<1x512x1024xi32, #tpu.memory_space<vmem>> -> memref<512x1024xi32, #tpu.memory_space<vmem>>
    %dma_start3A_62 = arith.constant 3072 : i32
    %dma_start3A_63 = arith.constant 0 : i32
    %dma_start3A_64 = tpu.memref_slice %arg1[%dma_start3A_62, %dma_start3A_63] : memref<4096x1024xi32, #tpu.memory_space<any>> -> memref<512x1024xi32, #tpu.memory_space<any>>
    tpu.enqueue_dma source(%dma_start3A_64 : memref<512x1024xi32, #tpu.memory_space<any>>) target(%dma_start3A_61 : memref<512x1024xi32, #tpu.memory_space<vmem>>) target_semaphore(%dma_start3A_57 : memref<!tpu.dma_semaphore, #tpu.memory_space<semaphore_mem>>) {priority = 1 : i32}
    %dma_start3A_65 = arith.constant 3 : i32
    %dma_start3A_66 = arith.constant 3 : i32
    %dma_start3A_67 = tpu.memref_slice %arg7[%dma_start3A_66] : memref<4x!tpu.dma_semaphore, #tpu.memory_space<semaphore_mem>> -> memref<1x!tpu.dma_semaphore, #tpu.memory_space<semaphore_mem>>
    %dma_start3A_68 = tpu.memref_squeeze %dma_start3A_67 : memref<1x!tpu.dma_semaphore, #tpu.memory_space<semaphore_mem>> -> memref<!tpu.dma_semaphore, #tpu.memory_space<semaphore_mem>>
    %dma_start3A_69 = arith.constant 0 : i32
    %dma_start3A_70 = arith.constant 0 : i32
    %dma_start3A_71 = tpu.memref_slice %arg5[%dma_start3A_65, %dma_start3A_69, %dma_start3A_70] : memref<4x512x1024xf32, #tpu.memory_space<vmem>> -> memref<1x512x1024xf32, #tpu.memory_space<vmem>>
    %dma_start3A_72 = tpu.memref_squeeze %dma_start3A_71 : memref<1x512x1024xf32, #tpu.memory_space<vmem>> -> memref<512x1024xf32, #tpu.memory_space<vmem>>
    %dma_start3A_73 = arith.constant 3584 : i32
    %dma_start3A_74 = arith.constant 0 : i32
    %dma_start3A_75 = tpu.memref_slice %arg0[%dma_start3A_73, %dma_start3A_74] : memref<4096x1024xf32, #tpu.memory_space<any>> -> memref<512x1024xf32, #tpu.memory_space<any>>
    tpu.enqueue_dma source(%dma_start3A_75 : memref<512x1024xf32, #tpu.memory_space<any>>) target(%dma_start3A_72 : memref<512x1024xf32, #tpu.memory_space<vmem>>) target_semaphore(%dma_start3A_68 : memref<!tpu.dma_semaphore, #tpu.memory_space<semaphore_mem>>)
    %dma_start3A_76 = arith.constant 3 : i32
    %dma_start3A_77 = arith.constant 3 : i32
    %dma_start3A_78 = tpu.memref_slice %arg8[%dma_start3A_77] : memref<4x!tpu.dma_semaphore, #tpu.memory_space<semaphore_mem>> -> memref<1x!tpu.dma_semaphore, #tpu.memory_space<semaphore_mem>>
    %dma_start3A_79 = tpu.memref_squeeze %dma_start3A_78 : memref<1x!tpu.dma_semaphore, #tpu.memory_space<semaphore_mem>> -> memref<!tpu.dma_semaphore, #tpu.memory_space<semaphore_mem>>
    %dma_start3A_80 = arith.constant 0 : i32
    %dma_start3A_81 = arith.constant 0 : i32
    %dma_start3A_82 = tpu.memref_slice %arg6[%dma_start3A_76, %dma_start3A_80, %dma_start3A_81] : memref<4x512x1024xi32, #tpu.memory_space<vmem>> -> memref<1x512x1024xi32, #tpu.memory_space<vmem>>
    %dma_start3A_83 = tpu.memref_squeeze %dma_start3A_82 : memref<1x512x1024xi32, #tpu.memory_space<vmem>> -> memref<512x1024xi32, #tpu.memory_space<vmem>>
    %dma_start3A_84 = arith.constant 3584 : i32
    %dma_start3A_85 = arith.constant 0 : i32
    %dma_start3A_86 = tpu.memref_slice %arg1[%dma_start3A_84, %dma_start3A_85] : memref<4096x1024xi32, #tpu.memory_space<any>> -> memref<512x1024xi32, #tpu.memory_space<any>>
    tpu.enqueue_dma source(%dma_start3A_86 : memref<512x1024xi32, #tpu.memory_space<any>>) target(%dma_start3A_83 : memref<512x1024xi32, #tpu.memory_space<vmem>>) target_semaphore(%dma_start3A_79 : memref<!tpu.dma_semaphore, #tpu.memory_space<semaphore_mem>>) {priority = 1 : i32}
    %broadcast_in_dim3A = arith.constant 0.000000e+00 : f32
    %broadcast_in_dim3A_87 = vector.broadcast %broadcast_in_dim3A : f32 to vector<8x1024xf32>
    %dma_wait3A = arith.constant 0 : i32
    %dma_wait3A_88 = arith.constant 0 : i32
    %dma_wait3A_89 = tpu.memref_slice %arg7[%dma_wait3A_88] : memref<4x!tpu.dma_semaphore, #tpu.memory_space<semaphore_mem>> -> memref<1x!tpu.dma_semaphore, #tpu.memory_space<semaphore_mem>>
    %dma_wait3A_90 = tpu.memref_squeeze %dma_wait3A_89 : memref<1x!tpu.dma_semaphore, #tpu.memory_space<semaphore_mem>> -> memref<!tpu.dma_semaphore, #tpu.memory_space<semaphore_mem>>
    %dma_wait3A_91 = arith.constant 0 : i32
    %dma_wait3A_92 = arith.constant 0 : i32
    %dma_wait3A_93 = tpu.memref_slice %arg5[%dma_wait3A, %dma_wait3A_91, %dma_wait3A_92] : memref<4x512x1024xf32, #tpu.memory_space<vmem>> -> memref<1x512x1024xf32, #tpu.memory_space<vmem>>
    %dma_wait3A_94 = tpu.memref_squeeze %dma_wait3A_93 : memref<1x512x1024xf32, #tpu.memory_space<vmem>> -> memref<512x1024xf32, #tpu.memory_space<vmem>>
    %dma_wait3A_95 = arith.constant 2048 : i32
    %dma_wait3A_96 = arith.constant 0 : i32
    %dma_wait3A_97 = tpu.memref_slice %arg0[%dma_wait3A_95, %dma_wait3A_96] : memref<4096x1024xf32, #tpu.memory_space<any>> -> memref<512x1024xf32, #tpu.memory_space<any>>
    tpu.wait_dma2 semaphore(%dma_wait3A_90 : memref<!tpu.dma_semaphore, #tpu.memory_space<semaphore_mem>>) src(%dma_wait3A_97 : memref<512x1024xf32, #tpu.memory_space<any>>) dst(%dma_wait3A_94 : memref<512x1024xf32, #tpu.memory_space<vmem>>)
    %dma_wait3A_98 = arith.constant 0 : i32
    %dma_wait3A_99 = arith.constant 0 : i32
    %dma_wait3A_100 = tpu.memref_slice %arg8[%dma_wait3A_99] : memref<4x!tpu.dma_semaphore, #tpu.memory_space<semaphore_mem>> -> memref<1x!tpu.dma_semaphore, #tpu.memory_space<semaphore_mem>>
    %dma_wait3A_101 = tpu.memref_squeeze %dma_wait3A_100 : memref<1x!tpu.dma_semaphore, #tpu.memory_space<semaphore_mem>> -> memref<!tpu.dma_semaphore, #tpu.memory_space<semaphore_mem>>
    %dma_wait3A_102 = arith.constant 0 : i32
    %dma_wait3A_103 = arith.constant 0 : i32
    %dma_wait3A_104 = tpu.memref_slice %arg6[%dma_wait3A_98, %dma_wait3A_102, %dma_wait3A_103] : memref<4x512x1024xi32, #tpu.memory_space<vmem>> -> memref<1x512x1024xi32, #tpu.memory_space<vmem>>
    %dma_wait3A_105 = tpu.memref_squeeze %dma_wait3A_104 : memref<1x512x1024xi32, #tpu.memory_space<vmem>> -> memref<512x1024xi32, #tpu.memory_space<vmem>>
    %dma_wait3A_106 = arith.constant 2048 : i32
    %dma_wait3A_107 = arith.constant 0 : i32
    %dma_wait3A_108 = tpu.memref_slice %arg1[%dma_wait3A_106, %dma_wait3A_107] : memref<4096x1024xi32, #tpu.memory_space<any>> -> memref<512x1024xi32, #tpu.memory_space<any>>
    tpu.wait_dma2 semaphore(%dma_wait3A_101 : memref<!tpu.dma_semaphore, #tpu.memory_space<semaphore_mem>>) src(%dma_wait3A_108 : memref<512x1024xi32, #tpu.memory_space<any>>) dst(%dma_wait3A_105 : memref<512x1024xi32, #tpu.memory_space<vmem>>)
    %scan3A = arith.constant 0 : i32
    %scan3A_109 = arith.constant 64 : i32
    %scan3A_110 = arith.addi %scan3A, %scan3A_109 : i32
    %scan3A_111 = arith.constant 2 : i32
    %scan3A_112:3 = scf.for %scan3A_220 = %scan3A to %scan3A_110 step %scan3A_111 iter_args(%scan3A_221 = %broadcast_in_dim3A_87, %scan3A_222 = %broadcast_in_dim3A_87, %scan3A_223 = %broadcast_in_dim3A_87) -> (vector<8x1024xf32>, vector<8x1024xf32>, vector<8x1024xf32>)  : i32 {
      %mul3A = arith.constant 8 : i32
      %mul3A_224 = arith.muli %scan3A_220, %mul3A : i32
      %get3A = arith.constant 0 : index
      %get3A_225 = arith.index_cast %mul3A_224 : i32 to index
      %get3A_226 = arith.constant 0 : index
      %get3A_227 = vector.load %arg5[%get3A, %get3A_225, %get3A_226] : memref<4x512x1024xf32, #tpu.memory_space<vmem>>, vector<1x8x1024xf32>
      %get3A_228 = vector.shape_cast %get3A_227 : vector<1x8x1024xf32> to vector<8x1024xf32>
      %mul3A_229 = arith.constant 8 : i32
      %mul3A_230 = arith.muli %scan3A_220, %mul3A_229 : i32
      %get3A_231 = arith.constant 0 : index
      %get3A_232 = arith.index_cast %mul3A_230 : i32 to index
      %get3A_233 = arith.constant 0 : index
      %get3A_234 = vector.load %arg6[%get3A_231, %get3A_232, %get3A_233] : memref<4x512x1024xi32, #tpu.memory_space<vmem>>, vector<1x8x1024xi32>
      %get3A_235 = vector.shape_cast %get3A_234 : vector<1x8x1024xi32> to vector<8x1024xi32>
      %add3A = arith.addf %scan3A_221, %get3A_228 : vector<8x1024xf32>
      %eq3A = arith.constant 1 : i32
      %eq3A_236 = vector.broadcast %eq3A : i32 to vector<8x1024xi32>
      %eq3A_237 = arith.cmpi eq, %get3A_235, %eq3A_236 : vector<8x1024xi32>
      %jit3A = arith.constant 0.000000e+00 : f32
      %broadcast_in_dim3A_238 = vector.broadcast %jit3A : f32 to vector<8x1024xf32>
      %select_n3A = arith.select %eq3A_237, %get3A_228, %broadcast_in_dim3A_238 : vector<8x1024xi1>, vector<8x1024xf32>
      %add3A_239 = arith.addf %scan3A_222, %select_n3A : vector<8x1024xf32>
      %convert_element_type3A = arith.sitofp %get3A_235 : vector<8x1024xi32> to vector<8x1024xf32>
      %add3A_240 = arith.addf %scan3A_223, %convert_element_type3A : vector<8x1024xf32>
      %scan3A_241 = arith.constant 1 : i32
      %scan3A_242 = arith.addi %scan3A_220, %scan3A_241 : i32
      %mul3A_243 = arith.constant 8 : i32
      %mul3A_244 = arith.muli %scan3A_242, %mul3A_243 : i32
      %get3A_245 = arith.constant 0 : index
      %get3A_246 = arith.index_cast %mul3A_244 : i32 to index
      %get3A_247 = arith.constant 0 : index
      %get3A_248 = vector.load %arg5[%get3A_245, %get3A_246, %get3A_247] : memref<4x512x1024xf32, #tpu.memory_space<vmem>>, vector<1x8x1024xf32>
      %get3A_249 = vector.shape_cast %get3A_248 : vector<1x8x1024xf32> to vector<8x1024xf32>
      %mul3A_250 = arith.constant 8 : i32
      %mul3A_251 = arith.muli %scan3A_242, %mul3A_250 : i32
      %get3A_252 = arith.constant 0 : index
      %get3A_253 = arith.index_cast %mul3A_251 : i32 to index
      %get3A_254 = arith.constant 0 : index
      %get3A_255 = vector.load %arg6[%get3A_252, %get3A_253, %get3A_254] : memref<4x512x1024xi32, #tpu.memory_space<vmem>>, vector<1x8x1024xi32>
      %get3A_256 = vector.shape_cast %get3A_255 : vector<1x8x1024xi32> to vector<8x1024xi32>
      %add3A_257 = arith.addf %add3A, %get3A_249 : vector<8x1024xf32>
      %eq3A_258 = arith.constant 1 : i32
      %eq3A_259 = vector.broadcast %eq3A_258 : i32 to vector<8x1024xi32>
      %eq3A_260 = arith.cmpi eq, %get3A_256, %eq3A_259 : vector<8x1024xi32>
      %jit3A_261 = arith.constant 0.000000e+00 : f32
      %broadcast_in_dim3A_262 = vector.broadcast %jit3A_261 : f32 to vector<8x1024xf32>
      %select_n3A_263 = arith.select %eq3A_260, %get3A_249, %broadcast_in_dim3A_262 : vector<8x1024xi1>, vector<8x1024xf32>
      %add3A_264 = arith.addf %add3A_239, %select_n3A_263 : vector<8x1024xf32>
      %convert_element_type3A_265 = arith.sitofp %get3A_256 : vector<8x1024xi32> to vector<8x1024xf32>
      %add3A_266 = arith.addf %add3A_240, %convert_element_type3A_265 : vector<8x1024xf32>
      scf.yield %add3A_257, %add3A_264, %add3A_266 : vector<8x1024xf32>, vector<8x1024xf32>, vector<8x1024xf32>
    }
    %scan3A_113 = arith.constant 64 : i32
    %dma_wait3A_114 = arith.constant 1 : i32
    %dma_wait3A_115 = arith.constant 1 : i32
    %dma_wait3A_116 = tpu.memref_slice %arg7[%dma_wait3A_115] : memref<4x!tpu.dma_semaphore, #tpu.memory_space<semaphore_mem>> -> memref<1x!tpu.dma_semaphore, #tpu.memory_space<semaphore_mem>>
    %dma_wait3A_117 = tpu.memref_squeeze %dma_wait3A_116 : memref<1x!tpu.dma_semaphore, #tpu.memory_space<semaphore_mem>> -> memref<!tpu.dma_semaphore, #tpu.memory_space<semaphore_mem>>
    %dma_wait3A_118 = arith.constant 0 : i32
    %dma_wait3A_119 = arith.constant 0 : i32
    %dma_wait3A_120 = tpu.memref_slice %arg5[%dma_wait3A_114, %dma_wait3A_118, %dma_wait3A_119] : memref<4x512x1024xf32, #tpu.memory_space<vmem>> -> memref<1x512x1024xf32, #tpu.memory_space<vmem>>
    %dma_wait3A_121 = tpu.memref_squeeze %dma_wait3A_120 : memref<1x512x1024xf32, #tpu.memory_space<vmem>> -> memref<512x1024xf32, #tpu.memory_space<vmem>>
    %dma_wait3A_122 = arith.constant 2560 : i32
    %dma_wait3A_123 = arith.constant 0 : i32
    %dma_wait3A_124 = tpu.memref_slice %arg0[%dma_wait3A_122, %dma_wait3A_123] : memref<4096x1024xf32, #tpu.memory_space<any>> -> memref<512x1024xf32, #tpu.memory_space<any>>
    tpu.wait_dma2 semaphore(%dma_wait3A_117 : memref<!tpu.dma_semaphore, #tpu.memory_space<semaphore_mem>>) src(%dma_wait3A_124 : memref<512x1024xf32, #tpu.memory_space<any>>) dst(%dma_wait3A_121 : memref<512x1024xf32, #tpu.memory_space<vmem>>)
    %dma_wait3A_125 = arith.constant 1 : i32
    %dma_wait3A_126 = arith.constant 1 : i32
    %dma_wait3A_127 = tpu.memref_slice %arg8[%dma_wait3A_126] : memref<4x!tpu.dma_semaphore, #tpu.memory_space<semaphore_mem>> -> memref<1x!tpu.dma_semaphore, #tpu.memory_space<semaphore_mem>>
    %dma_wait3A_128 = tpu.memref_squeeze %dma_wait3A_127 : memref<1x!tpu.dma_semaphore, #tpu.memory_space<semaphore_mem>> -> memref<!tpu.dma_semaphore, #tpu.memory_space<semaphore_mem>>
    %dma_wait3A_129 = arith.constant 0 : i32
    %dma_wait3A_130 = arith.constant 0 : i32
    %dma_wait3A_131 = tpu.memref_slice %arg6[%dma_wait3A_125, %dma_wait3A_129, %dma_wait3A_130] : memref<4x512x1024xi32, #tpu.memory_space<vmem>> -> memref<1x512x1024xi32, #tpu.memory_space<vmem>>
    %dma_wait3A_132 = tpu.memref_squeeze %dma_wait3A_131 : memref<1x512x1024xi32, #tpu.memory_space<vmem>> -> memref<512x1024xi32, #tpu.memory_space<vmem>>
    %dma_wait3A_133 = arith.constant 2560 : i32
    %dma_wait3A_134 = arith.constant 0 : i32
    %dma_wait3A_135 = tpu.memref_slice %arg1[%dma_wait3A_133, %dma_wait3A_134] : memref<4096x1024xi32, #tpu.memory_space<any>> -> memref<512x1024xi32, #tpu.memory_space<any>>
    tpu.wait_dma2 semaphore(%dma_wait3A_128 : memref<!tpu.dma_semaphore, #tpu.memory_space<semaphore_mem>>) src(%dma_wait3A_135 : memref<512x1024xi32, #tpu.memory_space<any>>) dst(%dma_wait3A_132 : memref<512x1024xi32, #tpu.memory_space<vmem>>)
    %scan3A_136 = arith.constant 0 : i32
    %scan3A_137 = arith.constant 64 : i32
    %scan3A_138 = arith.addi %scan3A_136, %scan3A_137 : i32
    %scan3A_139 = arith.constant 2 : i32
    %scan3A_140:3 = scf.for %scan3A_220 = %scan3A_136 to %scan3A_138 step %scan3A_139 iter_args(%scan3A_221 = %scan3A_112#0, %scan3A_222 = %scan3A_112#1, %scan3A_223 = %scan3A_112#2) -> (vector<8x1024xf32>, vector<8x1024xf32>, vector<8x1024xf32>)  : i32 {
      %mul3A = arith.constant 8 : i32
      %mul3A_224 = arith.muli %scan3A_220, %mul3A : i32
      %get3A = arith.constant 1 : index
      %get3A_225 = arith.index_cast %mul3A_224 : i32 to index
      %get3A_226 = arith.constant 0 : index
      %get3A_227 = vector.load %arg5[%get3A, %get3A_225, %get3A_226] : memref<4x512x1024xf32, #tpu.memory_space<vmem>>, vector<1x8x1024xf32>
      %get3A_228 = vector.shape_cast %get3A_227 : vector<1x8x1024xf32> to vector<8x1024xf32>
      %mul3A_229 = arith.constant 8 : i32
      %mul3A_230 = arith.muli %scan3A_220, %mul3A_229 : i32
      %get3A_231 = arith.constant 1 : index
      %get3A_232 = arith.index_cast %mul3A_230 : i32 to index
      %get3A_233 = arith.constant 0 : index
      %get3A_234 = vector.load %arg6[%get3A_231, %get3A_232, %get3A_233] : memref<4x512x1024xi32, #tpu.memory_space<vmem>>, vector<1x8x1024xi32>
      %get3A_235 = vector.shape_cast %get3A_234 : vector<1x8x1024xi32> to vector<8x1024xi32>
      %add3A = arith.addf %scan3A_221, %get3A_228 : vector<8x1024xf32>
      %eq3A = arith.constant 1 : i32
      %eq3A_236 = vector.broadcast %eq3A : i32 to vector<8x1024xi32>
      %eq3A_237 = arith.cmpi eq, %get3A_235, %eq3A_236 : vector<8x1024xi32>
      %jit3A = arith.constant 0.000000e+00 : f32
      %broadcast_in_dim3A_238 = vector.broadcast %jit3A : f32 to vector<8x1024xf32>
      %select_n3A = arith.select %eq3A_237, %get3A_228, %broadcast_in_dim3A_238 : vector<8x1024xi1>, vector<8x1024xf32>
      %add3A_239 = arith.addf %scan3A_222, %select_n3A : vector<8x1024xf32>
      %convert_element_type3A = arith.sitofp %get3A_235 : vector<8x1024xi32> to vector<8x1024xf32>
      %add3A_240 = arith.addf %scan3A_223, %convert_element_type3A : vector<8x1024xf32>
      %scan3A_241 = arith.constant 1 : i32
      %scan3A_242 = arith.addi %scan3A_220, %scan3A_241 : i32
      %mul3A_243 = arith.constant 8 : i32
      %mul3A_244 = arith.muli %scan3A_242, %mul3A_243 : i32
      %get3A_245 = arith.constant 1 : index
      %get3A_246 = arith.index_cast %mul3A_244 : i32 to index
      %get3A_247 = arith.constant 0 : index
      %get3A_248 = vector.load %arg5[%get3A_245, %get3A_246, %get3A_247] : memref<4x512x1024xf32, #tpu.memory_space<vmem>>, vector<1x8x1024xf32>
      %get3A_249 = vector.shape_cast %get3A_248 : vector<1x8x1024xf32> to vector<8x1024xf32>
      %mul3A_250 = arith.constant 8 : i32
      %mul3A_251 = arith.muli %scan3A_242, %mul3A_250 : i32
      %get3A_252 = arith.constant 1 : index
      %get3A_253 = arith.index_cast %mul3A_251 : i32 to index
      %get3A_254 = arith.constant 0 : index
      %get3A_255 = vector.load %arg6[%get3A_252, %get3A_253, %get3A_254] : memref<4x512x1024xi32, #tpu.memory_space<vmem>>, vector<1x8x1024xi32>
      %get3A_256 = vector.shape_cast %get3A_255 : vector<1x8x1024xi32> to vector<8x1024xi32>
      %add3A_257 = arith.addf %add3A, %get3A_249 : vector<8x1024xf32>
      %eq3A_258 = arith.constant 1 : i32
      %eq3A_259 = vector.broadcast %eq3A_258 : i32 to vector<8x1024xi32>
      %eq3A_260 = arith.cmpi eq, %get3A_256, %eq3A_259 : vector<8x1024xi32>
      %jit3A_261 = arith.constant 0.000000e+00 : f32
      %broadcast_in_dim3A_262 = vector.broadcast %jit3A_261 : f32 to vector<8x1024xf32>
      %select_n3A_263 = arith.select %eq3A_260, %get3A_249, %broadcast_in_dim3A_262 : vector<8x1024xi1>, vector<8x1024xf32>
      %add3A_264 = arith.addf %add3A_239, %select_n3A_263 : vector<8x1024xf32>
      %convert_element_type3A_265 = arith.sitofp %get3A_256 : vector<8x1024xi32> to vector<8x1024xf32>
      %add3A_266 = arith.addf %add3A_240, %convert_element_type3A_265 : vector<8x1024xf32>
      scf.yield %add3A_257, %add3A_264, %add3A_266 : vector<8x1024xf32>, vector<8x1024xf32>, vector<8x1024xf32>
    }
    %scan3A_141 = arith.constant 64 : i32
    %dma_wait3A_142 = arith.constant 2 : i32
    %dma_wait3A_143 = arith.constant 2 : i32
    %dma_wait3A_144 = tpu.memref_slice %arg7[%dma_wait3A_143] : memref<4x!tpu.dma_semaphore, #tpu.memory_space<semaphore_mem>> -> memref<1x!tpu.dma_semaphore, #tpu.memory_space<semaphore_mem>>
    %dma_wait3A_145 = tpu.memref_squeeze %dma_wait3A_144 : memref<1x!tpu.dma_semaphore, #tpu.memory_space<semaphore_mem>> -> memref<!tpu.dma_semaphore, #tpu.memory_space<semaphore_mem>>
    %dma_wait3A_146 = arith.constant 0 : i32
    %dma_wait3A_147 = arith.constant 0 : i32
    %dma_wait3A_148 = tpu.memref_slice %arg5[%dma_wait3A_142, %dma_wait3A_146, %dma_wait3A_147] : memref<4x512x1024xf32, #tpu.memory_space<vmem>> -> memref<1x512x1024xf32, #tpu.memory_space<vmem>>
    %dma_wait3A_149 = tpu.memref_squeeze %dma_wait3A_148 : memref<1x512x1024xf32, #tpu.memory_space<vmem>> -> memref<512x1024xf32, #tpu.memory_space<vmem>>
    %dma_wait3A_150 = arith.constant 3072 : i32
    %dma_wait3A_151 = arith.constant 0 : i32
    %dma_wait3A_152 = tpu.memref_slice %arg0[%dma_wait3A_150, %dma_wait3A_151] : memref<4096x1024xf32, #tpu.memory_space<any>> -> memref<512x1024xf32, #tpu.memory_space<any>>
    tpu.wait_dma2 semaphore(%dma_wait3A_145 : memref<!tpu.dma_semaphore, #tpu.memory_space<semaphore_mem>>) src(%dma_wait3A_152 : memref<512x1024xf32, #tpu.memory_space<any>>) dst(%dma_wait3A_149 : memref<512x1024xf32, #tpu.memory_space<vmem>>)
    %dma_wait3A_153 = arith.constant 2 : i32
    %dma_wait3A_154 = arith.constant 2 : i32
    %dma_wait3A_155 = tpu.memref_slice %arg8[%dma_wait3A_154] : memref<4x!tpu.dma_semaphore, #tpu.memory_space<semaphore_mem>> -> memref<1x!tpu.dma_semaphore, #tpu.memory_space<semaphore_mem>>
    %dma_wait3A_156 = tpu.memref_squeeze %dma_wait3A_155 : memref<1x!tpu.dma_semaphore, #tpu.memory_space<semaphore_mem>> -> memref<!tpu.dma_semaphore, #tpu.memory_space<semaphore_mem>>
    %dma_wait3A_157 = arith.constant 0 : i32
    %dma_wait3A_158 = arith.constant 0 : i32
    %dma_wait3A_159 = tpu.memref_slice %arg6[%dma_wait3A_153, %dma_wait3A_157, %dma_wait3A_158] : memref<4x512x1024xi32, #tpu.memory_space<vmem>> -> memref<1x512x1024xi32, #tpu.memory_space<vmem>>
    %dma_wait3A_160 = tpu.memref_squeeze %dma_wait3A_159 : memref<1x512x1024xi32, #tpu.memory_space<vmem>> -> memref<512x1024xi32, #tpu.memory_space<vmem>>
    %dma_wait3A_161 = arith.constant 3072 : i32
    %dma_wait3A_162 = arith.constant 0 : i32
    %dma_wait3A_163 = tpu.memref_slice %arg1[%dma_wait3A_161, %dma_wait3A_162] : memref<4096x1024xi32, #tpu.memory_space<any>> -> memref<512x1024xi32, #tpu.memory_space<any>>
    tpu.wait_dma2 semaphore(%dma_wait3A_156 : memref<!tpu.dma_semaphore, #tpu.memory_space<semaphore_mem>>) src(%dma_wait3A_163 : memref<512x1024xi32, #tpu.memory_space<any>>) dst(%dma_wait3A_160 : memref<512x1024xi32, #tpu.memory_space<vmem>>)
    %scan3A_164 = arith.constant 0 : i32
    %scan3A_165 = arith.constant 64 : i32
    %scan3A_166 = arith.addi %scan3A_164, %scan3A_165 : i32
    %scan3A_167 = arith.constant 2 : i32
    %scan3A_168:3 = scf.for %scan3A_220 = %scan3A_164 to %scan3A_166 step %scan3A_167 iter_args(%scan3A_221 = %scan3A_140#0, %scan3A_222 = %scan3A_140#1, %scan3A_223 = %scan3A_140#2) -> (vector<8x1024xf32>, vector<8x1024xf32>, vector<8x1024xf32>)  : i32 {
      %mul3A = arith.constant 8 : i32
      %mul3A_224 = arith.muli %scan3A_220, %mul3A : i32
      %get3A = arith.constant 2 : index
      %get3A_225 = arith.index_cast %mul3A_224 : i32 to index
      %get3A_226 = arith.constant 0 : index
      %get3A_227 = vector.load %arg5[%get3A, %get3A_225, %get3A_226] : memref<4x512x1024xf32, #tpu.memory_space<vmem>>, vector<1x8x1024xf32>
      %get3A_228 = vector.shape_cast %get3A_227 : vector<1x8x1024xf32> to vector<8x1024xf32>
      %mul3A_229 = arith.constant 8 : i32
      %mul3A_230 = arith.muli %scan3A_220, %mul3A_229 : i32
      %get3A_231 = arith.constant 2 : index
      %get3A_232 = arith.index_cast %mul3A_230 : i32 to index
      %get3A_233 = arith.constant 0 : index
      %get3A_234 = vector.load %arg6[%get3A_231, %get3A_232, %get3A_233] : memref<4x512x1024xi32, #tpu.memory_space<vmem>>, vector<1x8x1024xi32>
      %get3A_235 = vector.shape_cast %get3A_234 : vector<1x8x1024xi32> to vector<8x1024xi32>
      %add3A = arith.addf %scan3A_221, %get3A_228 : vector<8x1024xf32>
      %eq3A = arith.constant 1 : i32
      %eq3A_236 = vector.broadcast %eq3A : i32 to vector<8x1024xi32>
      %eq3A_237 = arith.cmpi eq, %get3A_235, %eq3A_236 : vector<8x1024xi32>
      %jit3A = arith.constant 0.000000e+00 : f32
      %broadcast_in_dim3A_238 = vector.broadcast %jit3A : f32 to vector<8x1024xf32>
      %select_n3A = arith.select %eq3A_237, %get3A_228, %broadcast_in_dim3A_238 : vector<8x1024xi1>, vector<8x1024xf32>
      %add3A_239 = arith.addf %scan3A_222, %select_n3A : vector<8x1024xf32>
      %convert_element_type3A = arith.sitofp %get3A_235 : vector<8x1024xi32> to vector<8x1024xf32>
      %add3A_240 = arith.addf %scan3A_223, %convert_element_type3A : vector<8x1024xf32>
      %scan3A_241 = arith.constant 1 : i32
      %scan3A_242 = arith.addi %scan3A_220, %scan3A_241 : i32
      %mul3A_243 = arith.constant 8 : i32
      %mul3A_244 = arith.muli %scan3A_242, %mul3A_243 : i32
      %get3A_245 = arith.constant 2 : index
      %get3A_246 = arith.index_cast %mul3A_244 : i32 to index
      %get3A_247 = arith.constant 0 : index
      %get3A_248 = vector.load %arg5[%get3A_245, %get3A_246, %get3A_247] : memref<4x512x1024xf32, #tpu.memory_space<vmem>>, vector<1x8x1024xf32>
      %get3A_249 = vector.shape_cast %get3A_248 : vector<1x8x1024xf32> to vector<8x1024xf32>
      %mul3A_250 = arith.constant 8 : i32
      %mul3A_251 = arith.muli %scan3A_242, %mul3A_250 : i32
      %get3A_252 = arith.constant 2 : index
      %get3A_253 = arith.index_cast %mul3A_251 : i32 to index
      %get3A_254 = arith.constant 0 : index
      %get3A_255 = vector.load %arg6[%get3A_252, %get3A_253, %get3A_254] : memref<4x512x1024xi32, #tpu.memory_space<vmem>>, vector<1x8x1024xi32>
      %get3A_256 = vector.shape_cast %get3A_255 : vector<1x8x1024xi32> to vector<8x1024xi32>
      %add3A_257 = arith.addf %add3A, %get3A_249 : vector<8x1024xf32>
      %eq3A_258 = arith.constant 1 : i32
      %eq3A_259 = vector.broadcast %eq3A_258 : i32 to vector<8x1024xi32>
      %eq3A_260 = arith.cmpi eq, %get3A_256, %eq3A_259 : vector<8x1024xi32>
      %jit3A_261 = arith.constant 0.000000e+00 : f32
      %broadcast_in_dim3A_262 = vector.broadcast %jit3A_261 : f32 to vector<8x1024xf32>
      %select_n3A_263 = arith.select %eq3A_260, %get3A_249, %broadcast_in_dim3A_262 : vector<8x1024xi1>, vector<8x1024xf32>
      %add3A_264 = arith.addf %add3A_239, %select_n3A_263 : vector<8x1024xf32>
      %convert_element_type3A_265 = arith.sitofp %get3A_256 : vector<8x1024xi32> to vector<8x1024xf32>
      %add3A_266 = arith.addf %add3A_240, %convert_element_type3A_265 : vector<8x1024xf32>
      scf.yield %add3A_257, %add3A_264, %add3A_266 : vector<8x1024xf32>, vector<8x1024xf32>, vector<8x1024xf32>
    }
    %scan3A_169 = arith.constant 64 : i32
    %dma_wait3A_170 = arith.constant 3 : i32
    %dma_wait3A_171 = arith.constant 3 : i32
    %dma_wait3A_172 = tpu.memref_slice %arg7[%dma_wait3A_171] : memref<4x!tpu.dma_semaphore, #tpu.memory_space<semaphore_mem>> -> memref<1x!tpu.dma_semaphore, #tpu.memory_space<semaphore_mem>>
    %dma_wait3A_173 = tpu.memref_squeeze %dma_wait3A_172 : memref<1x!tpu.dma_semaphore, #tpu.memory_space<semaphore_mem>> -> memref<!tpu.dma_semaphore, #tpu.memory_space<semaphore_mem>>
    %dma_wait3A_174 = arith.constant 0 : i32
    %dma_wait3A_175 = arith.constant 0 : i32
    %dma_wait3A_176 = tpu.memref_slice %arg5[%dma_wait3A_170, %dma_wait3A_174, %dma_wait3A_175] : memref<4x512x1024xf32, #tpu.memory_space<vmem>> -> memref<1x512x1024xf32, #tpu.memory_space<vmem>>
    %dma_wait3A_177 = tpu.memref_squeeze %dma_wait3A_176 : memref<1x512x1024xf32, #tpu.memory_space<vmem>> -> memref<512x1024xf32, #tpu.memory_space<vmem>>
    %dma_wait3A_178 = arith.constant 3584 : i32
    %dma_wait3A_179 = arith.constant 0 : i32
    %dma_wait3A_180 = tpu.memref_slice %arg0[%dma_wait3A_178, %dma_wait3A_179] : memref<4096x1024xf32, #tpu.memory_space<any>> -> memref<512x1024xf32, #tpu.memory_space<any>>
    tpu.wait_dma2 semaphore(%dma_wait3A_173 : memref<!tpu.dma_semaphore, #tpu.memory_space<semaphore_mem>>) src(%dma_wait3A_180 : memref<512x1024xf32, #tpu.memory_space<any>>) dst(%dma_wait3A_177 : memref<512x1024xf32, #tpu.memory_space<vmem>>)
    %dma_wait3A_181 = arith.constant 3 : i32
    %dma_wait3A_182 = arith.constant 3 : i32
    %dma_wait3A_183 = tpu.memref_slice %arg8[%dma_wait3A_182] : memref<4x!tpu.dma_semaphore, #tpu.memory_space<semaphore_mem>> -> memref<1x!tpu.dma_semaphore, #tpu.memory_space<semaphore_mem>>
    %dma_wait3A_184 = tpu.memref_squeeze %dma_wait3A_183 : memref<1x!tpu.dma_semaphore, #tpu.memory_space<semaphore_mem>> -> memref<!tpu.dma_semaphore, #tpu.memory_space<semaphore_mem>>
    %dma_wait3A_185 = arith.constant 0 : i32
    %dma_wait3A_186 = arith.constant 0 : i32
    %dma_wait3A_187 = tpu.memref_slice %arg6[%dma_wait3A_181, %dma_wait3A_185, %dma_wait3A_186] : memref<4x512x1024xi32, #tpu.memory_space<vmem>> -> memref<1x512x1024xi32, #tpu.memory_space<vmem>>
    %dma_wait3A_188 = tpu.memref_squeeze %dma_wait3A_187 : memref<1x512x1024xi32, #tpu.memory_space<vmem>> -> memref<512x1024xi32, #tpu.memory_space<vmem>>
    %dma_wait3A_189 = arith.constant 3584 : i32
    %dma_wait3A_190 = arith.constant 0 : i32
    %dma_wait3A_191 = tpu.memref_slice %arg1[%dma_wait3A_189, %dma_wait3A_190] : memref<4096x1024xi32, #tpu.memory_space<any>> -> memref<512x1024xi32, #tpu.memory_space<any>>
    tpu.wait_dma2 semaphore(%dma_wait3A_184 : memref<!tpu.dma_semaphore, #tpu.memory_space<semaphore_mem>>) src(%dma_wait3A_191 : memref<512x1024xi32, #tpu.memory_space<any>>) dst(%dma_wait3A_188 : memref<512x1024xi32, #tpu.memory_space<vmem>>)
    %scan3A_192 = arith.constant 0 : i32
    %scan3A_193 = arith.constant 64 : i32
    %scan3A_194 = arith.addi %scan3A_192, %scan3A_193 : i32
    %scan3A_195 = arith.constant 2 : i32
    %scan3A_196:3 = scf.for %scan3A_220 = %scan3A_192 to %scan3A_194 step %scan3A_195 iter_args(%scan3A_221 = %scan3A_168#0, %scan3A_222 = %scan3A_168#1, %scan3A_223 = %scan3A_168#2) -> (vector<8x1024xf32>, vector<8x1024xf32>, vector<8x1024xf32>)  : i32 {
      %mul3A = arith.constant 8 : i32
      %mul3A_224 = arith.muli %scan3A_220, %mul3A : i32
      %get3A = arith.constant 3 : index
      %get3A_225 = arith.index_cast %mul3A_224 : i32 to index
      %get3A_226 = arith.constant 0 : index
      %get3A_227 = vector.load %arg5[%get3A, %get3A_225, %get3A_226] : memref<4x512x1024xf32, #tpu.memory_space<vmem>>, vector<1x8x1024xf32>
      %get3A_228 = vector.shape_cast %get3A_227 : vector<1x8x1024xf32> to vector<8x1024xf32>
      %mul3A_229 = arith.constant 8 : i32
      %mul3A_230 = arith.muli %scan3A_220, %mul3A_229 : i32
      %get3A_231 = arith.constant 3 : index
      %get3A_232 = arith.index_cast %mul3A_230 : i32 to index
      %get3A_233 = arith.constant 0 : index
      %get3A_234 = vector.load %arg6[%get3A_231, %get3A_232, %get3A_233] : memref<4x512x1024xi32, #tpu.memory_space<vmem>>, vector<1x8x1024xi32>
      %get3A_235 = vector.shape_cast %get3A_234 : vector<1x8x1024xi32> to vector<8x1024xi32>
      %add3A = arith.addf %scan3A_221, %get3A_228 : vector<8x1024xf32>
      %eq3A = arith.constant 1 : i32
      %eq3A_236 = vector.broadcast %eq3A : i32 to vector<8x1024xi32>
      %eq3A_237 = arith.cmpi eq, %get3A_235, %eq3A_236 : vector<8x1024xi32>
      %jit3A = arith.constant 0.000000e+00 : f32
      %broadcast_in_dim3A_238 = vector.broadcast %jit3A : f32 to vector<8x1024xf32>
      %select_n3A = arith.select %eq3A_237, %get3A_228, %broadcast_in_dim3A_238 : vector<8x1024xi1>, vector<8x1024xf32>
      %add3A_239 = arith.addf %scan3A_222, %select_n3A : vector<8x1024xf32>
      %convert_element_type3A = arith.sitofp %get3A_235 : vector<8x1024xi32> to vector<8x1024xf32>
      %add3A_240 = arith.addf %scan3A_223, %convert_element_type3A : vector<8x1024xf32>
      %scan3A_241 = arith.constant 1 : i32
      %scan3A_242 = arith.addi %scan3A_220, %scan3A_241 : i32
      %mul3A_243 = arith.constant 8 : i32
      %mul3A_244 = arith.muli %scan3A_242, %mul3A_243 : i32
      %get3A_245 = arith.constant 3 : index
      %get3A_246 = arith.index_cast %mul3A_244 : i32 to index
      %get3A_247 = arith.constant 0 : index
      %get3A_248 = vector.load %arg5[%get3A_245, %get3A_246, %get3A_247] : memref<4x512x1024xf32, #tpu.memory_space<vmem>>, vector<1x8x1024xf32>
      %get3A_249 = vector.shape_cast %get3A_248 : vector<1x8x1024xf32> to vector<8x1024xf32>
      %mul3A_250 = arith.constant 8 : i32
      %mul3A_251 = arith.muli %scan3A_242, %mul3A_250 : i32
      %get3A_252 = arith.constant 3 : index
      %get3A_253 = arith.index_cast %mul3A_251 : i32 to index
      %get3A_254 = arith.constant 0 : index
      %get3A_255 = vector.load %arg6[%get3A_252, %get3A_253, %get3A_254] : memref<4x512x1024xi32, #tpu.memory_space<vmem>>, vector<1x8x1024xi32>
      %get3A_256 = vector.shape_cast %get3A_255 : vector<1x8x1024xi32> to vector<8x1024xi32>
      %add3A_257 = arith.addf %add3A, %get3A_249 : vector<8x1024xf32>
      %eq3A_258 = arith.constant 1 : i32
      %eq3A_259 = vector.broadcast %eq3A_258 : i32 to vector<8x1024xi32>
      %eq3A_260 = arith.cmpi eq, %get3A_256, %eq3A_259 : vector<8x1024xi32>
      %jit3A_261 = arith.constant 0.000000e+00 : f32
      %broadcast_in_dim3A_262 = vector.broadcast %jit3A_261 : f32 to vector<8x1024xf32>
      %select_n3A_263 = arith.select %eq3A_260, %get3A_249, %broadcast_in_dim3A_262 : vector<8x1024xi1>, vector<8x1024xf32>
      %add3A_264 = arith.addf %add3A_239, %select_n3A_263 : vector<8x1024xf32>
      %convert_element_type3A_265 = arith.sitofp %get3A_256 : vector<8x1024xi32> to vector<8x1024xf32>
      %add3A_266 = arith.addf %add3A_240, %convert_element_type3A_265 : vector<8x1024xf32>
      scf.yield %add3A_257, %add3A_264, %add3A_266 : vector<8x1024xf32>, vector<8x1024xf32>, vector<8x1024xf32>
    }
    %scan3A_197 = arith.constant 64 : i32
    %reduce_sum3A = vector.shape_cast %scan3A_196#0 : vector<8x1024xf32> to vector<1x8x1024xf32>
    %reduce_sum3A_198 = arith.constant dense<0.000000e+00> : vector<1xf32>
    %reduce_sum3A_199 = vector.multi_reduction <add>, %reduce_sum3A, %reduce_sum3A_198 [1, 2] : vector<1x8x1024xf32> to vector<1xf32>
    %reduce_sum3A_200 = vector.shape_cast %reduce_sum3A_199 : vector<1xf32> to vector<1x1x1xf32>
    %reduce_sum3A_201 = vector.extract %reduce_sum3A_200[0, 0, 0] : f32 from vector<1x1x1xf32>
    %swap3A = arith.constant 0 : index
    %swap3A_202 = arith.constant 0 : index
    %swap3A_203 = memref.load %arg2[%swap3A, %swap3A_202] : memref<1x1xf32, #tpu.memory_space<smem>>
    memref.store %reduce_sum3A_201, %arg2[%swap3A, %swap3A_202] : memref<1x1xf32, #tpu.memory_space<smem>>
    %reduce_sum3A_204 = vector.shape_cast %scan3A_196#1 : vector<8x1024xf32> to vector<1x8x1024xf32>
    %reduce_sum3A_205 = arith.constant dense<0.000000e+00> : vector<1xf32>
    %reduce_sum3A_206 = vector.multi_reduction <add>, %reduce_sum3A_204, %reduce_sum3A_205 [1, 2] : vector<1x8x1024xf32> to vector<1xf32>
    %reduce_sum3A_207 = vector.shape_cast %reduce_sum3A_206 : vector<1xf32> to vector<1x1x1xf32>
    %reduce_sum3A_208 = vector.extract %reduce_sum3A_207[0, 0, 0] : f32 from vector<1x1x1xf32>
    %swap3A_209 = arith.constant 0 : index
    %swap3A_210 = arith.constant 0 : index
    %swap3A_211 = memref.load %arg3[%swap3A_209, %swap3A_210] : memref<1x1xf32, #tpu.memory_space<smem>>
    memref.store %reduce_sum3A_208, %arg3[%swap3A_209, %swap3A_210] : memref<1x1xf32, #tpu.memory_space<smem>>
    %reduce_sum3A_212 = vector.shape_cast %scan3A_196#2 : vector<8x1024xf32> to vector<1x8x1024xf32>
    %reduce_sum3A_213 = arith.constant dense<0.000000e+00> : vector<1xf32>
    %reduce_sum3A_214 = vector.multi_reduction <add>, %reduce_sum3A_212, %reduce_sum3A_213 [1, 2] : vector<1x8x1024xf32> to vector<1xf32>
    %reduce_sum3A_215 = vector.shape_cast %reduce_sum3A_214 : vector<1xf32> to vector<1x1x1xf32>
    %reduce_sum3A_216 = vector.extract %reduce_sum3A_215[0, 0, 0] : f32 from vector<1x1x1xf32>
    %swap3A_217 = arith.constant 0 : index
    %swap3A_218 = arith.constant 0 : index
    %swap3A_219 = memref.load %arg4[%swap3A_217, %swap3A_218] : memref<1x1xf32, #tpu.memory_space<smem>>
    memref.store %reduce_sum3A_216, %arg4[%swap3A_217, %swap3A_218] : memref<1x1xf32, #tpu.memory_space<smem>>
    return
  }
}

</mosaic_0001>

<sc_bundles>
// kernel: kernel.4.cloned.1.call-start
scs
__scs_entry_jumppad:
0x0: {  	(pc) =	sbr.rel $0x88, $3  }
0x1: {  	(tag) =	ssettag $0x0;
	lr =	simm.s32 $0x1  }
0x2: {  	[smem:$0x3F9F] =	sst lr;
	_ =	strace $0xD0000000  }
0x3: {  	_ = 	snop  }
0x4: {  	_ = 	snop  }
0x5: {  	_ = 	snop  }
0x6: {  	_ = 	snop  }
0x7: {  	_ = 	snop  }
__scs_overlays_trampoline_lowered:
0x8: {  	[smem:$0x3FAE] =	sst s0  }
0x9: {  	[smem:$0x3FAF] =	sst s1  }
0xa: {  	[smem:$0x3FB0] =	sst s2  }
0xb: {  	[smem:$0x3FB1] =	sst s3  }
0xc: {  	[smem:$0x3FB2] =	sst s4  }
0xd: {  	[smem:$0x3FB3] =	sst s5  }
0xe: {  	[smem:$0x3FB4] =	sst s6  }
0xf: {  	[smem:$0x3FB5] =	sst s7  }
0x10: {  	[smem:$0x3FB6] =	sst s8  }
0x11: {  	[smem:$0x3FB7] =	sst s9;
	s0 =	simm.s32 @!p0 $0x0  }
0x12: {  	s1 =	sld [smem:$0x3F9D];
	s0 =	simm.s32 @p0 $0x1  }
0x13: {  	[smem:$0x3FB8] =	sst s0;
	s0 =	simm.s32 @!p1 $0x0  }
0x14: {  	s2 =	sld [smem:$0x3F9C];
	s0 =	simm.s32 @p1 $0x1  }
0x15: {  	[smem:$0x3FB9] =	sst s0;
	s0 =	simm.s32 @!p2 $0x0  }
0x16: {  	s3 =	sld [smem:$0x3FDB];
	s0 =	simm.s32 @p2 $0x1  }
0x17: {  	s4 =	simm.s32 $0x1BF5;
	[smem:$0x3FBB] =	sst s0  }
0x18: {  	s0 =	sld [smem:$0x3F9E];
	_ =	swait.ge [sflag:s4], $0x0  }
0x19: {  	s7 =	sld [smem:$0x3F9F]  }
0x1a: {  	s8 =	sadd.s32 $0xFFFFE003, lr  }
0x1b: {  	s9 =	sadd.s32 $0xFFFFFEF7, lr;
	s5 =	simm.s32 $0xFFFFFFFF;
	p2 =	slt.u32 s8, $0xFFFFF086  }
0x1c: {  	p1 =	slt.u32 s9, $0xF7A;
	s5 =	simm.s32 @!p2 $0x0  }
0x1d: {  	s5 =	simm.s32 @p1 $0x1;
	p0 =	seq.s32 s7, s2  }
0x1e: {  	s7 =	smul.u32 @!p0 $0xF7A, s2;
	p2 =	seq.s32 @!p0 s5, $0x0  }
0x1f: {  	s9 =	smul.u32 $0xF7A, s1;
	s8 =	simm.s32 @!p0 $0x1BF5;
	p2 =	por !p2, p0  }
0x20: {  	[sflag:s8] =	ssyncset.s32 @!p0 $0xFFFFF086;
	s6 =	sadd.s32 @!p0 s3, s7;
	s7 =	simm.s32 @!p0 $0x108  }
0x21: {  	s3 =	sadd.s32 s3, s9;
	s6 =	sadd.s32 @!p0 $0x88, s6;
	s7 =	simm.s32 @p2 $0x1082  }
0x22: {  	[simem:s7], [sflag:s8] =	dma.local @!p0 [hbm:s6], $0xF7A  }
0x23: {  	s9 =	sor.u32 $0xD0000000, s2;
	s6 =	simm.s32 $0x108;
	_ =	swait.ge @!p0 [sflag:s8], $0x0  }
0x24: {  	s3 =	sadd.s32 $0x88, s3;
	s6 =	simm.s32 @!p1 $0x1082;
	[sflag:s4] =	ssyncset.s32 $0xFFFFF086  }
0x25: {  	[simem:s6], [sflag:s4] =	dma.local [hbm:s3], $0xF7A  }
0x26: {  	[smem:$0x3F9F] =	sst s1;
	(tag) =	ssettag s2;
	_ =	strace s9  }
0x27: {  	s1 =	sld [smem:$0x3FAF]  }
0x28: {  	s2 =	sld [smem:$0x3FB0]  }
0x29: {  	s4 =	sld [smem:$0x3FB2]  }
0x2a: {  	p0 =	seq.s32 s5, $0x0;
	s5 =	sld [smem:$0x3FB3]  }
0x2b: {  	s6 =	sld [smem:$0x3FB4]  }
0x2c: {  	s7 =	sld [smem:$0x3FB5]  }
0x2d: {  	s3 =	simm.s32 $0x108;
	s8 =	sld [smem:$0x3FB6]  }
0x2e: {  	s3 =	simm.s32 @!p0 $0x1082;
	s9 =	sld [smem:$0x3FB7]  }
0x2f: {  	lr =	sadd.s32 s0, s3;
	s0 =	sld [smem:$0x3FAE]  }
0x30: {  	s3 =	sld [smem:$0x3FB1]  }
0x31: {  	[smem:$0x3FBA] =	sst s10  }
0x32: {  	s10 =	sld [smem:$0x3FB8];
	_ =	sdelay $0x3  }
0x33: {  	p0 =	seq.s32 s10, $0x1;
	s10 =	sld [smem:$0x3FBA];
	_ =	sdelay $0x3  }
0x34: {  	[smem:$0x3FBA] =	sst s10  }
0x35: {  	s10 =	sld [smem:$0x3FB9];
	_ =	sdelay $0x3  }
0x36: {  	p1 =	seq.s32 s10, $0x1;
	s10 =	sld [smem:$0x3FBA];
	_ =	sdelay $0x3  }
0x37: {  	[smem:$0x3FBA] =	sst s10  }
0x38: {  	s10 =	sld [smem:$0x3FBB]  }
0x39: {  	_ = 	snop;
	(pc) =	sbr.ind lr, $3  }
0x3a: {  	_ = 	snop  }
0x3b: {  	_ = 	snop  }
0x3c: {  	p2 =	seq.s32 s10, $0x1;
	s10 =	sld [smem:$0x3FBA]  }
0x3d: {  	_ =	shalt  }
0x3e: {  	_ =	shalt  }
0x3f: {  	_ =	shalt  }
0x40: {  	_ =	shalt  }
0x41: {  	_ =	shalt  }
0x42: {  	_ =	shalt  }
0x43: {  	_ =	shalt  }
0x44: {  	_ =	shalt  }
0x45: {  	_ =	shalt  }
0x46: {  	_ =	shalt  }
0x47: {  	_ =	shalt  }
0x48: {  	_ =	shalt  }
0x49: {  	_ =	shalt  }
0x4a: {  	_ =	shalt  }
0x4b: {  	_ =	shalt  }
0x4c: {  	_ =	shalt  }
0x4d: {  	_ =	shalt  }
0x4e: {  	_ =	shalt  }
0x4f: {  	_ =	shalt  }
0x50: {  	_ =	shalt  }
0x51: {  	_ =	shalt  }
0x52: {  	_ =	shalt  }
0x53: {  	_ =	shalt  }
0x54: {  	_ =	shalt  }
0x55: {  	_ =	shalt  }
0x56: {  	_ =	shalt  }
0x57: {  	_ =	shalt  }
0x58: {  	_ =	shalt  }
0x59: {  	_ =	shalt  }
0x5a: {  	_ =	shalt  }
0x5b: {  	_ =	shalt  }
0x5c: {  	_ =	shalt  }
0x5d: {  	_ =	shalt  }
0x5e: {  	_ =	shalt  }
0x5f: {  	_ =	shalt  }
0x60: {  	_ =	shalt  }
0x61: {  	_ =	shalt  }
0x62: {  	_ =	shalt  }
0x63: {  	_ =	shalt  }
0x64: {  	_ =	shalt  }
0x65: {  	_ =	shalt  }
0x66: {  	_ =	shalt  }
0x67: {  	_ =	shalt  }
0x68: {  	_ =	shalt  }
0x69: {  	_ =	shalt  }
0x6a: {  	_ =	shalt  }
0x6b: {  	_ =	shalt  }
0x6c: {  	_ =	shalt  }
0x6d: {  	_ =	shalt  }
0x6e: {  	_ =	shalt  }
0x6f: {  	_ =	shalt  }
0x70: {  	_ =	shalt  }
0x71: {  	_ =	shalt  }
0x72: {  	_ =	shalt  }
0x73: {  	_ =	shalt  }
0x74: {  	_ =	shalt  }
0x75: {  	_ =	shalt  }
0x76: {  	_ =	shalt  }
0x77: {  	_ =	shalt  }
0x78: {  	_ =	shalt  }
0x79: {  	_ =	shalt  }
0x7a: {  	_ =	shalt  }
0x7b: {  	_ =	shalt  }
0x7c: {  	_ =	shalt  }
0x7d: {  	_ =	shalt  }
0x7e: {  	_ =	shalt  }
0x7f: {  	_ =	shalt  }
0x80: {  	_ =	shalt  }
0x81: {  	_ =	shalt  }
0x82: {  	_ =	shalt  }
0x83: {  	_ =	shalt  }
0x84: {  	_ =	shalt  }
0x85: {  	_ =	shalt  }
0x86: {  	_ =	shalt  }
0x87: {  	_ =	shalt  }
.Lfunc_end0:
.L_simem_size_0:
called_computation_lowered:
.L_overlay_start_0:
0x88: {  	s2 =	sld [smem:$0x3FD9]  }
0x89: {  	s3 =	sld [smem:$0x3FFE];
	_ =	sdelay $0x1  }
0x8a: {  	s1 =	srdreg.scid  }
0x8b: {  	s0 =	sand.u32 $0x1, s1  }
0x8c: {  	s17 =	sshll.u32 s0, $0xA;
	s2 =	sadd.s32 s3, s2  }
0x8d: {  	s2 =	sadd.s32 s2, s17  }
0x8e: {  	[smem:$0x3FC6] =	sst s2  }
0x8f: {  	_ = 	snop  }
0x90: {  	s2 =	sld [smem:$0x3FC9]  }
0x91: {  	s18 =	sld [smem:$0x3FC8];
	(tm) =	ssettm $0x1  }
0x92: {  	s4 =	sld [smem:$0x3FFB];
	_ =	sdelay $0x3  }
0x93: {  	_ =	strace s4  }
0x94: {  	s4 =	sld [smem:$0x3FFC];
	_ =	sdelay $0x3  }
0x95: {  	_ =	strace s4  }
0x96: {  	s4 =	sld [smem:$0x3FFD];
	_ =	sdelay $0x3  }
0x97: {  	_ =	strace s4  }
0x98: {  	_ =	strace $0x8FFFFFFF  }
0x99: {  	s19 =	sld [smem:$0x3FDB];
	_ =	sdelay $0x1  }
0x9a: {  	s5 =	simm.s32 $_scs_section_size  }
0x9b: {  	s6 =	simm.s32 $_size__tile_overlayer_lowered;
	s7 =	simm.s32 $_tile_overlayer_lowered  }
0x9c: {  	s22 =	simm.s32 $0x1BFF;
	s21 =	sshll.u32 s7, $0x1;
	s4 =	sadd.s32 s5, s19  }
0x9d: {  	s8 =	simm.s32 $0x0;
	s20 =	sshll.u32 s6, $0x1;
	s6 =	sadd.s32 s21, s4  }
0x9e: {  	[timem:s8], [sflag:s22] =	dma.local [hbm:s6], s20  }
0x9f: {  	_ =	swait.ge [sflag:s22], s20  }
0xa0: {  	s5 =	ssub.s32 $0x0, s20;
	[sflag:s22] =	ssyncset.done $0x0  }
0xa1: {  	[sflag:s22] =	ssyncadd.s32 s5;
	_ =	sdelay $0x1  }
0xa2: {  	s23 =	simm.s32 $0x1B8B  }
0xa3: {  	_ =	swait.ge [sflag:s23], $0x1  }
0xa4: {  	[sflag:s23] =	ssyncset.done $0x0  }
0xa5: {  	s25 =	simm.s32 $0x1B8E;
	s24 =	sld [smem:$0x3FFE];
	[sflag:s23] =	ssyncadd.s32 $0xFFFFFFFF  }
0xa6: {  	s26 =	simm.s32 $execute0_lowered;
	[smem:$0x3FD2] =	sst s25  }
0xa7: {  	s6 =	sshll.u32 s26, $0x1;
	_ =	strace $0x80000046;
	[dreg:$0x1] =	wrdreg $0xFFFFFFFF  }
0xa8: {  	s28 =	simm.s32 $_size_execute0_lowered;
	s4 =	sadd.s32 s4, s6;
	[dreg:$0x0] =	wrdreg $0x0  }
0xa9: {  	s6 =	sshll.u32 s28, $0x1;
	[dreg:$0x2] =	wrdreg s4  }
0xaa: {  	[dreg:$0x3] =	wrdreg s6  }
0xab: {  	[dreg:$0x4] =	wrdreg $0xC0  }
0xac: {  	_ =	task [dreg:s8], $0x5FFFF  }
0xad: {  	[dreg:$0x1] =	wrdreg $0xFFFFFFFF  }
0xae: {  	[dreg:$0x0] =	wrdreg $0x60  }
0xaf: {  	[dreg:$0x2] =	wrdreg s2  }
0xb0: {  	[dreg:$0x3] =	wrdreg s18  }
0xb1: {  	[dreg:$0x4] =	wrdreg s24  }
0xb2: {  	[dreg:$0x5] =	wrdreg $0x9  }
0xb3: {  	_ =	task.clear_ibuf [dreg:s8], $0x6FFFF;
	_ =	strace $0x90000046  }
0xb4: {  	s29 =	simm.s32 $0x9;
	_ =	strace $0x80000048  }
0xb5: {  	_ =	swait.ge [sflag:s29], $0x1  }
0xb6: {  	[sflag:s29] =	ssyncadd.s32 $0xFFFFFFFF  }
0xb7: {  	_ =	strace $0x90000048  }
0xb8: {  	_ =	sfence  }
0xb9: {  	s30 =	sld [smem:$0x0];
	_ =	sdelay $0x2  }
0xba: {  	s31 =	sshll.u32 s1, $0xD;
	s1 =	sshrl.u32 s1, $0x2  }
0xbb: {  	s3 =	sand.u32 $0x4000, s31;
	s1 =	sadd.s32 s1, s30  }
0xbc: {  	s0 =	sor.u32 s3, s0;
	s1 =	sshll.u32 s1, $0x11  }
0xbd: {  	s0 =	sor.u32 s1, s0  }
0xbe: {  	s0 =	sadd.s32 $0x8F2B, s0  }
0xbf: {  	[sflag:s0] =	ssyncadd.remote.s32 $0x1  }
0xc0: {  	_ =	sfence.sel $0xFFFF  }
0xc1: {  	[dreg:$0x0] =	wrdreg $0xFFFFFFFF;
	(pc) =	sbr.abs _section_cstart, $3  }
0xc2: {  	[dreg:$0x1] =	wrdreg $0xFFFFFFFF  }
0xc3: {  	_ =	task.clear_ibuf [dreg:s8], $0x2FFFF;
	_ =	strace $0x9FFFFFFF  }
0xc4: {  	(tm) =	ssettm $0x7FFFFFFF  }
0xc5: {  	_ =	shalt  }
tec
execute0_lowered:
.L_overlay_start_1:
0x0: {  	(tag) =	ssettag $0x1  }
0x1: {  	s9 =	rddreg [dreg:$0x0]  }
0x2: {  	s10 =	rddreg [dreg:$0x1]  }
0x3: {  	s3 =	rddreg [dreg:$0x2]  }
0x4: {  	s0 =	rddreg [dreg:$0x3];
	s4 =	srdreg.scid  }
0x5: {  	s1 =	stileid.u32;
	s2 =	simm.s32 $0x0;
	s15 =	simm.s32 $0x2  }
0x6: {  	s16 =	simm.s32 $0x4;
	s17 =	simm.s32 $0x10000;
	s18 =	simm.s32 $0x5  }
0x7: {  	s19 =	simm.s32 $0x0;
	s4 =	sand.u32 $0x1, s4;
	s5 =	sshll.u32 s1, $0x1  }
0x8: {  	[smem:$0x7FF] =	sst s2;
	s5 =	sor.u32 s4, s5;
	s4 =	ssub.s32 $0x2, s4  }
0x9: {  	_ =	strace $0x80000047;
	s6 =	sshll.u32 s5, $0x6;
	s30 =	sshrl.u32 s4, $0x1  }
0xa: {  	s8 =	sshll.u32 s5, $0xD;
	s11 =	sadd.s32 s6, s3;
	s12 =	ssub.s32 s4, s30  }
0xb: {  	s3 =	sadd.s32 s9, s8;
	s31 =	sor.u32 $0x800, s8;
	s4 =	sadd.s32 s10, s8  }
0xc: {  	s13 =	sor.u32 $0x1000, s8;
	s14 =	sor.u32 $0x1800, s8;
	s5 =	sadd.s32 s9, s31  }
0xd: {  	s6 =	sadd.s32 s10, s31;
	s7 =	sadd.s32 s9, s13;
	s8 =	sadd.s32 s10, s13  }
0xe: {  	s9 =	sadd.s32 s9, s14;
	s10 =	sadd.s32 s10, s14;
	s11 =	sadd.s32 $0x400, s11  }
0xf: {  	s12 =	smax.u32 s12, $0x1;
	s13 =	simm.s32 $0x1;
	s14 =	simm.s32 $0x3  }
.LBB2_1:
0x10: {  	s20 =	simm.s32 $0x10  }
0x11: {  	s23 =	sadd.s32 $0x0, s3;
	s21 =	simm.s32 $0x100;
	s22 =	simm.s32 $0x0  }
.LBB2_2:
0x12: {  	[tilespmem:s22], [sflag:$0x1] =	stream.linear.gather [hbm4b:s23+s2], $0x80, $0x38;
	[tilespmem:$0x10200] =	vst v63  }
0x13: {  	s23 =	smov.u32 s20;
	s22 =	smov.u32 s21;
	p0 =	sne.s32 s20, $0x7F0  }
.Ltmp0:
0x14: {  	s20 =	sadd.s32 $0x10, s20;
	(pc) =	sbr.rel @p0 .LBB2_2-.Ltmp0, $2  }
0x15: {  	_ =	sdelay $0x2  }
0x16: {  	s21 =	sadd.s32 $0x100, s21;
	s23 =	sadd.s32 s23, s3  }
0x17: {  	[tilespmem:s22], [sflag:$0x1] =	stream.linear.gather [hbm4b:s23+s2], $0x80, $0x38;
	[tilespmem:$0x10200] =	vst v63  }
0x18: {  	s20 =	simm.s32 $0x8000  }
0x19: {  	s21 =	simm.s32 $0x10;
	s23 =	sadd.s32 $0x0, s4;
	s22 =	simm.s32 $0x8100  }
.LBB2_4:
0x1a: {  	[tilespmem:s20], [sflag:$0x3] =	stream.linear.gather [hbm4b:s23+s2], $0x80, $0x38;
	[tilespmem:$0x10200] =	vst v63  }
0x1b: {  	s23 =	smov.u32 s21;
	s20 =	smov.u32 s22;
	p0 =	sne.s32 s21, $0x7F0  }
.Ltmp1:
0x1c: {  	s21 =	sadd.s32 $0x10, s21;
	(pc) =	sbr.rel @p0 .LBB2_4-.Ltmp1, $2  }
0x1d: {  	_ =	sdelay $0x2  }
0x1e: {  	s22 =	sadd.s32 $0x100, s22;
	s23 =	sadd.s32 s23, s4  }
0x1f: {  	[tilespmem:s20], [sflag:$0x3] =	stream.linear.gather [hbm4b:s23+s2], $0x80, $0x38;
	[tilespmem:$0x10200] =	vst v63  }
0x20: {  	_ =	swait.ge [sflag:s13], $0x4000  }
0x21: {  	[sflag:s13] =	ssyncset.done $0x0  }
0x22: {  	[sflag:s13] =	ssyncadd.s32 $0xFFFFC000  }
0x23: {  	_ =	swait.ge [sflag:s14], $0x4000  }
0x24: {  	s20 =	simm.s32 $0x80;
	s21 =	simm.s32 $0x10;
	[sflag:s14] =	ssyncset.done $0x0  }
0x25: {  	s23 =	sadd.s32 $0x0, s5;
	s22 =	simm.s32 $0x180;
	[sflag:s14] =	ssyncadd.s32 $0xFFFFC000  }
.LBB2_6:
0x26: {  	[tilespmem:s20], [sflag:$0x2] =	stream.linear.gather [hbm4b:s23+s2], $0x80, $0x38;
	[tilespmem:$0x10200] =	vst v63  }
0x27: {  	s23 =	smov.u32 s21;
	s20 =	smov.u32 s22;
	p0 =	sne.s32 s21, $0x7F0  }
.Ltmp2:
0x28: {  	s21 =	sadd.s32 $0x10, s21;
	(pc) =	sbr.rel @p0 .LBB2_6-.Ltmp2, $2  }
0x29: {  	_ =	sdelay $0x2  }
0x2a: {  	s22 =	sadd.s32 $0x100, s22;
	s23 =	sadd.s32 s23, s5  }
0x2b: {  	[tilespmem:s20], [sflag:$0x2] =	stream.linear.gather [hbm4b:s23+s2], $0x80, $0x38;
	[tilespmem:$0x10200] =	vst v63  }
0x2c: {  	s20 =	simm.s32 $0x0;
	s21 =	simm.s32 $0x8080  }
.LBB2_8:
0x2d: {  	p0 =	sne.s32 s20, $0x7F0  }
.Ltmp3:
0x2e: {  	_ = 	snop;
	(pc) =	sbr.rel @p0 .LBB2_8-.Ltmp3, $4  }
0x2f: {  	_ = 	snop  }
0x30: {  	s22 =	sadd.s32 s20, s6  }
0x31: {  	[tilespmem:s21], [sflag:$0x4] =	stream.linear.gather [hbm4b:s22+s2], $0x80, $0x38;
	[tilespmem:$0x10200] =	vst v63  }
0x32: {  	s20 =	sadd.s32 $0x10, s20;
	s21 =	sadd.s32 $0x100, s21  }
0x33: {  	s21 =	simm.s32 $0x8040  }
0x34: {  	v0 =	vld [tilespmem:s21+$0xFFFFFFC0]  }
0x35: {  	s20 =	simm.s32 $0x40;
	v1 =	vld [tilespmem:s21+$0xFFFFFFD0]  }
0x36: {  	v2 =	vld [tilespmem:s20+$0xFFFFFFC0]  }
0x37: {  	v3 =	vld [tilespmem:s21+$0xFFFFFFE0]  }
0x38: {  	v4 =	vld [tilespmem:s20+$0xFFFFFFD0]  }
0x39: {  	v5 =	vld [tilespmem:s21+$0xFFFFFFF0]  }
0x3a: {  	v6 =	vimm.f32 $0.0e+00;
	v7 =	vld [tilespmem:s20+$0xFFFFFFE0];
	vm0 =	veq.s32 v0, $0x1;
	v0 =	vcvt.s32.f32 v0  }
0x3b: {  	v9 =	vld [tilespmem:s21+$0x0];
	v8 =	vadd.f32 v2, v6;
	v2 =	vnsel vm0, $0x0, v2;
	vm0 =	veq.s32 v1, $0x1  }
0x3c: {  	v1 =	vcvt.s32.f32 v1;
	v10 =	vadd.f32 v2, v6;
	v0 =	vadd.f32 v0, v6;
	v6 =	vld [tilespmem:s20+$0xFFFFFFF0]  }
0x3d: {  	v8 =	vadd.f32 v4, v8;
	v4 =	vnsel vm0, $0x0, v4;
	vm0 =	veq.s32 v3, $0x1;
	v2 =	vld [tilespmem:s21+$0x10]  }
0x3e: {  	v3 =	vcvt.s32.f32 v3;
	v4 =	vadd.f32 v4, v10;
	v1 =	vadd.f32 v1, v0;
	v10 =	vld [tilespmem:s20+$0x0]  }
0x3f: {  	v8 =	vadd.f32 v7, v8;
	v7 =	vnsel vm0, $0x0, v7;
	vm0 =	veq.s32 v5, $0x1;
	v0 =	vld [tilespmem:s21+$0x20]  }
0x40: {  	v4 =	vadd.f32 v7, v4;
	v3 =	vadd.f32 v3, v1;
	v7 =	vcvt.s32.f32 v5;
	v5 =	vld [tilespmem:s20+$0x10]  }
0x41: {  	v1 =	vld [tilespmem:s21+$0x30];
	v8 =	vadd.f32 v6, v8;
	v6 =	vnsel vm0, $0x0, v6;
	vm0 =	veq.s32 v9, $0x1  }
0x42: {  	v9 =	vcvt.s32.f32 v9;
	v6 =	vadd.f32 v6, v4;
	v7 =	vadd.f32 v7, v3;
	v4 =	vld [tilespmem:s20+$0x20]  }
0x43: {  	s22 =	simm.s32 $0x8140;
	s21 =	simm.s32 $0x0;
	v3 =	vld [tilespmem:s20+$0x30];
	v8 =	vadd.f32 v10, v8;
	v10 =	vnsel vm0, $0x0, v10;
	vm0 =	veq.s32 v2, $0x1  }
.LBB2_10:
0x44: {  	v11 =	vld [tilespmem:s22+$0xFFFFFFC0];
	v6 =	vadd.f32 v10, v6;
	v7 =	vadd.f32 v9, v7;
	v2 =	vcvt.s32.f32 v2  }
0x45: {  	s21 =	sadd.s32 $0x8, s21;
	s20 =	sadd.s32 $0x100, s20;
	v9 =	vld [tilespmem:s22+$0xFFFFFFD0];
	v8 =	vadd.f32 v5, v8;
	v5 =	vnsel vm0, $0x0, v5;
	vm0 =	veq.s32 v0, $0x1  }
0x46: {  	p0 =	slt.u32 s21, $0x3F8;
	v0 =	vcvt.s32.f32 v0;
	v10 =	vld [tilespmem:s20+$0xFFFFFFC0];
	v5 =	vadd.f32 v5, v6;
	v2 =	vadd.f32 v2, v7  }
0x47: {  	v6 =	vld [tilespmem:s22+$0xFFFFFFE0];
	v7 =	vadd.f32 v4, v8;
	v4 =	vnsel vm0, $0x0, v4;
	vm0 =	veq.s32 v1, $0x1  }
0x48: {  	v1 =	vcvt.s32.f32 v1;
	v8 =	vld [tilespmem:s20+$0xFFFFFFD0];
	v4 =	vadd.f32 v4, v5;
	v0 =	vadd.f32 v0, v2  }
0x49: {  	vm1 =	veq.s32 v11, $0x1;
	v5 =	vld [tilespmem:s22+$0xFFFFFFF0];
	v2 =	vadd.f32 v3, v7;
	v3 =	vnsel vm0, $0x0, v3  }
0x4a: {  	v7 =	vcvt.s32.f32 v11;
	v11 =	vld [tilespmem:s20+$0xFFFFFFE0];
	v3 =	vadd.f32 v3, v4;
	v0 =	vadd.f32 v1, v0  }
0x4b: {  	vm0 =	veq.s32 v9, $0x1;
	v1 =	vadd.f32 v10, v2;
	v2 =	vnsel vm1, $0x0, v10;
	v4 =	vld [tilespmem:s22+$0x0]  }
0x4c: {  	v3 =	vadd.f32 v2, v3;
	v0 =	vadd.f32 v7, v0;
	v7 =	vcvt.s32.f32 v9;
	v9 =	vld [tilespmem:s20+$0xFFFFFFF0]  }
0x4d: {  	v1 =	vadd.f32 v8, v1;
	v8 =	vnsel vm0, $0x0, v8;
	vm0 =	veq.s32 v6, $0x1;
	v2 =	vld [tilespmem:s22+$0x10]  }
0x4e: {  	v6 =	vcvt.s32.f32 v6;
	v3 =	vadd.f32 v8, v3;
	v7 =	vadd.f32 v7, v0;
	v10 =	vld [tilespmem:s20+$0x0]  }
.Ltmp4:
0x4f: {  	v1 =	vadd.f32 v11, v1;
	v8 =	vnsel vm0, $0x0, v11;
	vm0 =	veq.s32 v5, $0x1;
	v0 =	vld [tilespmem:s22+$0x20];
	(pc) =	sbr.rel @p0 .LBB2_10-.Ltmp4, $4  }
0x50: {  	v3 =	vadd.f32 v8, v3;
	v7 =	vadd.f32 v6, v7;
	v8 =	vcvt.s32.f32 v5;
	v5 =	vld [tilespmem:s20+$0x10]  }
0x51: {  	v11 =	vadd.f32 v9, v1;
	v6 =	vnsel vm0, $0x0, v9;
	vm0 =	veq.s32 v4, $0x1;
	v1 =	vld [tilespmem:s22+$0x30]  }
0x52: {  	v9 =	vcvt.s32.f32 v4;
	v6 =	vadd.f32 v6, v3;
	v7 =	vadd.f32 v8, v7;
	v4 =	vld [tilespmem:s20+$0x20]  }
0x53: {  	s22 =	sadd.s32 $0x100, s22;
	v8 =	vadd.f32 v10, v11;
	v10 =	vnsel vm0, $0x0, v10;
	vm0 =	veq.s32 v2, $0x1;
	v3 =	vld [tilespmem:s20+$0x30]  }
0x54: {  	v6 =	vadd.f32 v10, v6;
	v7 =	vadd.f32 v9, v7;
	v2 =	vcvt.s32.f32 v2  }
0x55: {  	_ =	swait.ge [sflag:s15], $0x4000;
	vm14 =	veq.s32 v0, $0x1;
	v8 =	vadd.f32 v5, v8;
	v60 =	vnsel vm0, $0x0, v5  }
0x56: {  	v0 =	vcvt.s32.f32 v0;
	[sflag:s15] =	ssyncset.done $0x0;
	v5 =	vadd.f32 v60, v6;
	v2 =	vadd.f32 v2, v7  }
0x57: {  	[sflag:s15] =	ssyncadd.s32 $0xFFFFC000;
	vm15 =	veq.s32 v1, $0x1;
	v61 =	vadd.f32 v4, v8;
	v62 =	vnsel vm14, $0x0, v4  }
0x58: {  	v63 =	vcvt.s32.f32 v1;
	_ =	swait.ge [sflag:s16], $0x4000;
	v4 =	vadd.f32 v62, v5;
	v2 =	vadd.f32 v0, v2  }
0x59: {  	s20 =	simm.s32 $0x0;
	s21 =	simm.s32 $0x10;
	[sflag:s16] =	ssyncset.done $0x0;
	v1 =	vnsel vm15, $0x0, v3;
	v0 =	vadd.f32 v3, v61  }
0x5a: {  	s23 =	sadd.s32 $0x0, s7;
	s22 =	simm.s32 $0x100;
	[sflag:s16] =	ssyncadd.s32 $0xFFFFC000;
	v1 =	vadd.f32 v1, v4;
	v2 =	vadd.f32 v63, v2  }
.LBB2_12:
0x5b: {  	[tilespmem:s20], [sflag:$0x1] =	stream.linear.gather [hbm4b:s23+s2], $0x80, $0x38;
	[tilespmem:$0x10200] =	vst v63  }
0x5c: {  	s23 =	smov.u32 s21;
	s20 =	smov.u32 s22;
	p0 =	sne.s32 s21, $0x7F0  }
.Ltmp5:
0x5d: {  	s21 =	sadd.s32 $0x10, s21;
	(pc) =	sbr.rel @p0 .LBB2_12-.Ltmp5, $2  }
0x5e: {  	_ =	sdelay $0x2  }
0x5f: {  	s22 =	sadd.s32 $0x100, s22;
	s23 =	sadd.s32 s23, s7  }
0x60: {  	[tilespmem:s20], [sflag:$0x1] =	stream.linear.gather [hbm4b:s23+s2], $0x80, $0x38;
	[tilespmem:$0x10200] =	vst v63  }
0x61: {  	s20 =	simm.s32 $0x0;
	s21 =	simm.s32 $0x8000  }
.LBB2_14:
0x62: {  	p0 =	sne.s32 s20, $0x7F0  }
.Ltmp6:
0x63: {  	_ = 	snop;
	(pc) =	sbr.rel @p0 .LBB2_14-.Ltmp6, $4  }
0x64: {  	_ = 	snop  }
0x65: {  	s22 =	sadd.s32 s20, s8  }
0x66: {  	[tilespmem:s21], [sflag:$0x3] =	stream.linear.gather [hbm4b:s22+s2], $0x80, $0x38;
	[tilespmem:$0x10200] =	vst v63  }
0x67: {  	s20 =	sadd.s32 $0x10, s20;
	s21 =	sadd.s32 $0x100, s21  }
0x68: {  	s21 =	simm.s32 $0x80F0  }
0x69: {  	v3 =	vld [tilespmem:s21+$0xFFFFFF90]  }
0x6a: {  	s20 =	simm.s32 $0xF0;
	v4 =	vld [tilespmem:s21+$0xFFFFFFA0]  }
0x6b: {  	v5 =	vld [tilespmem:s20+$0xFFFFFF90]  }
0x6c: {  	v6 =	vld [tilespmem:s21+$0xFFFFFFB0]  }
0x6d: {  	v7 =	vld [tilespmem:s20+$0xFFFFFFA0]  }
0x6e: {  	v8 =	vld [tilespmem:s21+$0xFFFFFFC0]  }
0x6f: {  	v9 =	vld [tilespmem:s20+$0xFFFFFFB0];
	vm0 =	veq.s32 v3, $0x1;
	v3 =	vcvt.s32.f32 v3  }
0x70: {  	v10 =	vld [tilespmem:s21+$0xFFFFFFD0];
	v0 =	vadd.f32 v5, v0;
	v5 =	vnsel vm0, $0x0, v5;
	vm0 =	veq.s32 v4, $0x1  }
0x71: {  	v11 =	vld [tilespmem:s20+$0xFFFFFFC0];
	v4 =	vcvt.s32.f32 v4;
	v1 =	vadd.f32 v5, v1;
	v3 =	vadd.f32 v3, v2  }
0x72: {  	v12 =	vld [tilespmem:s20+$0xFFFFFFD0];
	v0 =	vadd.f32 v7, v0;
	v5 =	vnsel vm0, $0x0, v7;
	vm0 =	veq.s32 v6, $0x1  }
0x73: {  	v2 =	vld [tilespmem:s21+$0xFFFFFFE0];
	v1 =	vadd.f32 v5, v1;
	v3 =	vadd.f32 v4, v3;
	v4 =	vcvt.s32.f32 v6  }
0x74: {  	v6 =	vadd.f32 v9, v0;
	v5 =	vnsel vm0, $0x0, v9;
	vm0 =	veq.s32 v8, $0x1;
	v0 =	vld [tilespmem:s21+$0xFFFFFFF0]  }
0x75: {  	v7 =	vadd.f32 v5, v1;
	v3 =	vadd.f32 v4, v3;
	v4 =	vcvt.s32.f32 v8;
	v5 =	vld [tilespmem:s20+$0xFFFFFFE0]  }
0x76: {  	v9 =	vcvt.s32.f32 v10;
	v8 =	vadd.f32 v11, v6;
	v6 =	vnsel vm0, $0x0, v11;
	v1 =	vld [tilespmem:s21+$0x0]  }
0x77: {  	vm0 =	veq.s32 v10, $0x1;
	v6 =	vadd.f32 v6, v7;
	v7 =	vadd.f32 v4, v3;
	v4 =	vld [tilespmem:s20+$0xFFFFFFF0]  }
0x78: {  	s22 =	simm.s32 $0x81F0;
	s21 =	simm.s32 $0x0;
	v10 =	vnsel vm0, $0x0, v12;
	vm0 =	veq.s32 v2, $0x1;
	v8 =	vadd.f32 v12, v8;
	v3 =	vld [tilespmem:s20+$0x0]  }
.LBB2_16:
0x79: {  	v11 =	vld [tilespmem:s22+$0xFFFFFF90];
	v6 =	vadd.f32 v10, v6;
	v7 =	vadd.f32 v9, v7;
	v2 =	vcvt.s32.f32 v2  }
0x7a: {  	s21 =	sadd.s32 $0x8, s21;
	s20 =	sadd.s32 $0x100, s20;
	v9 =	vld [tilespmem:s22+$0xFFFFFFA0];
	v8 =	vadd.f32 v5, v8;
	v5 =	vnsel vm0, $0x0, v5;
	vm0 =	veq.s32 v0, $0x1  }
0x7b: {  	p0 =	slt.u32 s21, $0x3F8;
	v0 =	vcvt.s32.f32 v0;
	v10 =	vld [tilespmem:s20+$0xFFFFFF90];
	v5 =	vadd.f32 v5, v6;
	v2 =	vadd.f32 v2, v7  }
0x7c: {  	v6 =	vld [tilespmem:s22+$0xFFFFFFB0];
	v7 =	vadd.f32 v4, v8;
	v4 =	vnsel vm0, $0x0, v4;
	vm0 =	veq.s32 v1, $0x1  }
0x7d: {  	v1 =	vcvt.s32.f32 v1;
	v8 =	vld [tilespmem:s20+$0xFFFFFFA0];
	v4 =	vadd.f32 v4, v5;
	v0 =	vadd.f32 v0, v2  }
0x7e: {  	vm1 =	veq.s32 v11, $0x1;
	v5 =	vld [tilespmem:s22+$0xFFFFFFC0];
	v2 =	vadd.f32 v3, v7;
	v3 =	vnsel vm0, $0x0, v3  }
0x7f: {  	v7 =	vcvt.s32.f32 v11;
	v11 =	vld [tilespmem:s20+$0xFFFFFFB0];
	v3 =	vadd.f32 v3, v4;
	v0 =	vadd.f32 v1, v0  }
0x80: {  	vm0 =	veq.s32 v9, $0x1;
	v1 =	vadd.f32 v10, v2;
	v2 =	vnsel vm1, $0x0, v10;
	v4 =	vld [tilespmem:s22+$0xFFFFFFD0]  }
0x81: {  	v3 =	vadd.f32 v2, v3;
	v0 =	vadd.f32 v7, v0;
	v7 =	vcvt.s32.f32 v9;
	v9 =	vld [tilespmem:s20+$0xFFFFFFC0]  }
0x82: {  	v1 =	vadd.f32 v8, v1;
	v8 =	vnsel vm0, $0x0, v8;
	vm0 =	veq.s32 v6, $0x1;
	v2 =	vld [tilespmem:s22+$0xFFFFFFE0]  }
0x83: {  	v6 =	vcvt.s32.f32 v6;
	v3 =	vadd.f32 v8, v3;
	v7 =	vadd.f32 v7, v0;
	v10 =	vld [tilespmem:s20+$0xFFFFFFD0]  }
.Ltmp7:
0x84: {  	v1 =	vadd.f32 v11, v1;
	v8 =	vnsel vm0, $0x0, v11;
	vm0 =	veq.s32 v5, $0x1;
	v0 =	vld [tilespmem:s22+$0xFFFFFFF0];
	(pc) =	sbr.rel @p0 .LBB2_16-.Ltmp7, $4  }
0x85: {  	v3 =	vadd.f32 v8, v3;
	v7 =	vadd.f32 v6, v7;
	v8 =	vcvt.s32.f32 v5;
	v5 =	vld [tilespmem:s20+$0xFFFFFFE0]  }
0x86: {  	v11 =	vadd.f32 v9, v1;
	v6 =	vnsel vm0, $0x0, v9;
	vm0 =	veq.s32 v4, $0x1;
	v1 =	vld [tilespmem:s22+$0x0]  }
0x87: {  	v9 =	vcvt.s32.f32 v4;
	v6 =	vadd.f32 v6, v3;
	v7 =	vadd.f32 v8, v7;
	v4 =	vld [tilespmem:s20+$0xFFFFFFF0]  }
0x88: {  	s22 =	sadd.s32 $0x100, s22;
	v8 =	vadd.f32 v10, v11;
	v10 =	vnsel vm0, $0x0, v10;
	vm0 =	veq.s32 v2, $0x1;
	v3 =	vld [tilespmem:s20+$0x0]  }
0x89: {  	v6 =	vadd.f32 v10, v6;
	v7 =	vadd.f32 v9, v7;
	v2 =	vcvt.s32.f32 v2  }
0x8a: {  	_ =	swait.ge [sflag:s13], $0x4000;
	vm14 =	veq.s32 v0, $0x1;
	v8 =	vadd.f32 v5, v8;
	v60 =	vnsel vm0, $0x0, v5  }
0x8b: {  	v0 =	vcvt.s32.f32 v0;
	[sflag:s13] =	ssyncset.done $0x0;
	v5 =	vadd.f32 v60, v6;
	v2 =	vadd.f32 v2, v7  }
0x8c: {  	[sflag:s13] =	ssyncadd.s32 $0xFFFFC000;
	vm15 =	veq.s32 v1, $0x1;
	v61 =	vadd.f32 v4, v8;
	v62 =	vnsel vm14, $0x0, v4  }
0x8d: {  	v63 =	vcvt.s32.f32 v1;
	_ =	swait.ge [sflag:s14], $0x4000;
	v4 =	vadd.f32 v62, v5;
	v2 =	vadd.f32 v0, v2  }
0x8e: {  	s20 =	simm.s32 $0x80;
	s21 =	simm.s32 $0x10;
	[sflag:s14] =	ssyncset.done $0x0;
	v1 =	vnsel vm15, $0x0, v3;
	v0 =	vadd.f32 v3, v61  }
0x8f: {  	s23 =	sadd.s32 $0x0, s9;
	s22 =	simm.s32 $0x180;
	[sflag:s14] =	ssyncadd.s32 $0xFFFFC000;
	v1 =	vadd.f32 v1, v4;
	v2 =	vadd.f32 v63, v2  }
.LBB2_18:
0x90: {  	[tilespmem:s20], [sflag:$0x2] =	stream.linear.gather [hbm4b:s23+s2], $0x80, $0x38;
	[tilespmem:$0x10200] =	vst v63  }
0x91: {  	s23 =	smov.u32 s21;
	s20 =	smov.u32 s22;
	p0 =	sne.s32 s21, $0x7F0  }
.Ltmp8:
0x92: {  	s21 =	sadd.s32 $0x10, s21;
	(pc) =	sbr.rel @p0 .LBB2_18-.Ltmp8, $2  }
0x93: {  	_ =	sdelay $0x2  }
0x94: {  	s22 =	sadd.s32 $0x100, s22;
	s23 =	sadd.s32 s23, s9  }
0x95: {  	[tilespmem:s20], [sflag:$0x2] =	stream.linear.gather [hbm4b:s23+s2], $0x80, $0x38;
	[tilespmem:$0x10200] =	vst v63  }
0x96: {  	s20 =	simm.s32 $0x0;
	s21 =	simm.s32 $0x8080  }
.LBB2_20:
0x97: {  	p0 =	sne.s32 s20, $0x7F0  }
.Ltmp9:
0x98: {  	_ = 	snop;
	(pc) =	sbr.rel @p0 .LBB2_20-.Ltmp9, $4  }
0x99: {  	_ = 	snop  }
0x9a: {  	s22 =	sadd.s32 s20, s10  }
0x9b: {  	[tilespmem:s21], [sflag:$0x4] =	stream.linear.gather [hbm4b:s22+s2], $0x80, $0x38;
	[tilespmem:$0x10200] =	vst v63  }
0x9c: {  	s20 =	sadd.s32 $0x10, s20;
	s21 =	sadd.s32 $0x100, s21  }
0x9d: {  	s21 =	simm.s32 $0x8040  }
0x9e: {  	v3 =	vld [tilespmem:s21+$0xFFFFFFC0]  }
0x9f: {  	s20 =	simm.s32 $0x40;
	v4 =	vld [tilespmem:s21+$0xFFFFFFD0]  }
0xa0: {  	v5 =	vld [tilespmem:s20+$0xFFFFFFC0]  }
0xa1: {  	v6 =	vld [tilespmem:s21+$0xFFFFFFE0]  }
0xa2: {  	v7 =	vld [tilespmem:s20+$0xFFFFFFD0]  }
0xa3: {  	v8 =	vld [tilespmem:s21+$0xFFFFFFF0]  }
0xa4: {  	v9 =	vld [tilespmem:s20+$0xFFFFFFE0];
	vm0 =	veq.s32 v3, $0x1;
	v3 =	vcvt.s32.f32 v3  }
0xa5: {  	v10 =	vld [tilespmem:s21+$0x0];
	v0 =	vadd.f32 v5, v0;
	v5 =	vnsel vm0, $0x0, v5;
	vm0 =	veq.s32 v4, $0x1  }
0xa6: {  	v11 =	vld [tilespmem:s20+$0xFFFFFFF0];
	v4 =	vcvt.s32.f32 v4;
	v1 =	vadd.f32 v5, v1;
	v3 =	vadd.f32 v3, v2  }
0xa7: {  	v12 =	vld [tilespmem:s20+$0x0];
	v0 =	vadd.f32 v7, v0;
	v5 =	vnsel vm0, $0x0, v7;
	vm0 =	veq.s32 v6, $0x1  }
0xa8: {  	v2 =	vld [tilespmem:s21+$0x10];
	v1 =	vadd.f32 v5, v1;
	v3 =	vadd.f32 v4, v3;
	v4 =	vcvt.s32.f32 v6  }
0xa9: {  	v6 =	vadd.f32 v9, v0;
	v5 =	vnsel vm0, $0x0, v9;
	vm0 =	veq.s32 v8, $0x1;
	v0 =	vld [tilespmem:s21+$0x20]  }
0xaa: {  	v7 =	vadd.f32 v5, v1;
	v3 =	vadd.f32 v4, v3;
	v4 =	vcvt.s32.f32 v8;
	v5 =	vld [tilespmem:s20+$0x10]  }
0xab: {  	v9 =	vcvt.s32.f32 v10;
	v6 =	vadd.f32 v11, v6;
	v8 =	vnsel vm0, $0x0, v11;
	v1 =	vld [tilespmem:s21+$0x30]  }
0xac: {  	vm0 =	veq.s32 v10, $0x1;
	v8 =	vadd.f32 v8, v7;
	v7 =	vadd.f32 v4, v3;
	v4 =	vld [tilespmem:s20+$0x20]  }
0xad: {  	s22 =	simm.s32 $0x8140;
	s21 =	simm.s32 $0x0;
	v10 =	vnsel vm0, $0x0, v12;
	vm0 =	veq.s32 v2, $0x1;
	v6 =	vadd.f32 v12, v6;
	v3 =	vld [tilespmem:s20+$0x30]  }
.LBB2_22:
0xae: {  	v11 =	vld [tilespmem:s22+$0xFFFFFFC0];
	v8 =	vadd.f32 v10, v8;
	v7 =	vadd.f32 v9, v7;
	v2 =	vcvt.s32.f32 v2  }
0xaf: {  	s21 =	sadd.s32 $0x8, s21;
	s20 =	sadd.s32 $0x100, s20;
	v9 =	vld [tilespmem:s22+$0xFFFFFFD0];
	v6 =	vadd.f32 v5, v6;
	v5 =	vnsel vm0, $0x0, v5;
	vm0 =	veq.s32 v0, $0x1  }
0xb0: {  	p0 =	slt.u32 s21, $0x3F8;
	v0 =	vcvt.s32.f32 v0;
	v10 =	vld [tilespmem:s20+$0xFFFFFFC0];
	v5 =	vadd.f32 v5, v8;
	v2 =	vadd.f32 v2, v7  }
0xb1: {  	v7 =	vld [tilespmem:s22+$0xFFFFFFE0];
	v6 =	vadd.f32 v4, v6;
	v4 =	vnsel vm0, $0x0, v4;
	vm0 =	veq.s32 v1, $0x1  }
0xb2: {  	v1 =	vcvt.s32.f32 v1;
	v8 =	vld [tilespmem:s20+$0xFFFFFFD0];
	v4 =	vadd.f32 v4, v5;
	v0 =	vadd.f32 v0, v2  }
0xb3: {  	vm1 =	veq.s32 v11, $0x1;
	v5 =	vld [tilespmem:s22+$0xFFFFFFF0];
	v2 =	vadd.f32 v3, v6;
	v3 =	vnsel vm0, $0x0, v3  }
0xb4: {  	v6 =	vcvt.s32.f32 v11;
	v11 =	vld [tilespmem:s20+$0xFFFFFFE0];
	v3 =	vadd.f32 v3, v4;
	v0 =	vadd.f32 v1, v0  }
0xb5: {  	vm0 =	veq.s32 v9, $0x1;
	v1 =	vadd.f32 v10, v2;
	v2 =	vnsel vm1, $0x0, v10;
	v4 =	vld [tilespmem:s22+$0x0]  }
0xb6: {  	v3 =	vadd.f32 v2, v3;
	v0 =	vadd.f32 v6, v0;
	v6 =	vcvt.s32.f32 v9;
	v9 =	vld [tilespmem:s20+$0xFFFFFFF0]  }
0xb7: {  	v1 =	vadd.f32 v8, v1;
	v8 =	vnsel vm0, $0x0, v8;
	vm0 =	veq.s32 v7, $0x1;
	v2 =	vld [tilespmem:s22+$0x10]  }
0xb8: {  	v7 =	vcvt.s32.f32 v7;
	v3 =	vadd.f32 v8, v3;
	v6 =	vadd.f32 v6, v0;
	v10 =	vld [tilespmem:s20+$0x0]  }
.Ltmp10:
0xb9: {  	v1 =	vadd.f32 v11, v1;
	v8 =	vnsel vm0, $0x0, v11;
	vm0 =	veq.s32 v5, $0x1;
	v0 =	vld [tilespmem:s22+$0x20];
	(pc) =	sbr.rel @p0 .LBB2_22-.Ltmp10, $4  }
0xba: {  	v3 =	vadd.f32 v8, v3;
	v6 =	vadd.f32 v7, v6;
	v7 =	vcvt.s32.f32 v5;
	v5 =	vld [tilespmem:s20+$0x10]  }
0xbb: {  	v11 =	vadd.f32 v9, v1;
	v8 =	vnsel vm0, $0x0, v9;
	vm0 =	veq.s32 v4, $0x1;
	v1 =	vld [tilespmem:s22+$0x30]  }
0xbc: {  	v9 =	vcvt.s32.f32 v4;
	v8 =	vadd.f32 v8, v3;
	v7 =	vadd.f32 v7, v6;
	v4 =	vld [tilespmem:s20+$0x20]  }
0xbd: {  	s22 =	sadd.s32 $0x100, s22;
	v6 =	vadd.f32 v10, v11;
	v10 =	vnsel vm0, $0x0, v10;
	vm0 =	veq.s32 v2, $0x1;
	v3 =	vld [tilespmem:s20+$0x30]  }
0xbe: {  	_ =	swait.ge [sflag:s15], $0x4000  }
0xbf: {  	[sflag:s15] =	ssyncset.done $0x0  }
0xc0: {  	[sflag:s15] =	ssyncadd.s32 $0xFFFFC000  }
0xc1: {  	_ =	swait.ge [sflag:s16], $0x4000  }
0xc2: {  	[sflag:s16] =	ssyncset.done $0x0  }
0xc3: {  	v8 =	vadd.f32 v10, v8;
	s21 =	simm.s32 $0x80F0;
	[sflag:s16] =	ssyncadd.s32 $0xFFFFC000  }
0xc4: {  	v7 =	vadd.f32 v9, v7;
	v2 =	vcvt.s32.f32 v2;
	v9 =	vnsel vm0, $0x0, v5;
	v10 =	vld [tilespmem:s21+$0xFFFFFF90]  }
0xc5: {  	s20 =	simm.s32 $0xF0;
	v5 =	vadd.f32 v5, v6;
	vm0 =	veq.s32 v0, $0x1;
	v6 =	vadd.f32 v9, v8;
	v8 =	vld [tilespmem:s21+$0xFFFFFFA0]  }
0xc6: {  	v0 =	vcvt.s32.f32 v0;
	v2 =	vadd.f32 v2, v7;
	v7 =	vnsel vm0, $0x0, v4;
	v9 =	vld [tilespmem:s20+$0xFFFFFF90]  }
0xc7: {  	v4 =	vadd.f32 v4, v5;
	vm0 =	veq.s32 v1, $0x1;
	v5 =	vadd.f32 v7, v6;
	v6 =	vld [tilespmem:s21+$0xFFFFFFB0]  }
0xc8: {  	v1 =	vcvt.s32.f32 v1;
	v0 =	vadd.f32 v0, v2;
	v2 =	vnsel vm0, $0x0, v3;
	v7 =	vld [tilespmem:s20+$0xFFFFFFA0]  }
0xc9: {  	v3 =	vadd.f32 v3, v4;
	v2 =	vadd.f32 v2, v5;
	v4 =	vld [tilespmem:s21+$0xFFFFFFC0]  }
0xca: {  	v0 =	vadd.f32 v1, v0;
	v5 =	vld [tilespmem:s20+$0xFFFFFFB0];
	vm0 =	veq.s32 v10, $0x1;
	v1 =	vcvt.s32.f32 v10  }
0xcb: {  	v3 =	vadd.f32 v9, v3;
	v10 =	vld [tilespmem:s21+$0xFFFFFFD0];
	v9 =	vnsel vm0, $0x0, v9;
	vm0 =	veq.s32 v8, $0x1  }
0xcc: {  	v8 =	vcvt.s32.f32 v8;
	v2 =	vadd.f32 v9, v2;
	v0 =	vadd.f32 v1, v0;
	v9 =	vld [tilespmem:s20+$0xFFFFFFC0]  }
0xcd: {  	v11 =	vld [tilespmem:s20+$0xFFFFFFD0];
	v3 =	vadd.f32 v7, v3;
	v7 =	vnsel vm0, $0x0, v7;
	vm0 =	veq.s32 v6, $0x1  }
0xce: {  	v1 =	vld [tilespmem:s21+$0xFFFFFFE0];
	v6 =	vcvt.s32.f32 v6;
	v2 =	vadd.f32 v7, v2;
	v7 =	vadd.f32 v8, v0  }
0xcf: {  	v3 =	vadd.f32 v5, v3;
	v5 =	vnsel vm0, $0x0, v5;
	vm0 =	veq.s32 v4, $0x1;
	v0 =	vld [tilespmem:s21+$0xFFFFFFF0]  }
0xd0: {  	v8 =	vcvt.s32.f32 v4;
	v4 =	vld [tilespmem:s20+$0xFFFFFFE0];
	v5 =	vadd.f32 v5, v2;
	v7 =	vadd.f32 v6, v7  }
0xd1: {  	v2 =	vld [tilespmem:s21+$0x0];
	v3 =	vadd.f32 v9, v3;
	v6 =	vnsel vm0, $0x0, v9;
	vm0 =	veq.s32 v10, $0x1  }
0xd2: {  	v9 =	vcvt.s32.f32 v10;
	v6 =	vadd.f32 v6, v5;
	v7 =	vadd.f32 v8, v7;
	v5 =	vld [tilespmem:s20+$0xFFFFFFF0]  }
0xd3: {  	s22 =	simm.s32 $0x81F0;
	s21 =	simm.s32 $0x0;
	v10 =	vnsel vm0, $0x0, v11;
	vm0 =	veq.s32 v1, $0x1;
	v8 =	vadd.f32 v11, v3;
	v3 =	vld [tilespmem:s20+$0x0]  }
.LBB2_24:
0xd4: {  	v11 =	vld [tilespmem:s22+$0xFFFFFF90];
	v6 =	vadd.f32 v10, v6;
	v7 =	vadd.f32 v9, v7;
	v1 =	vcvt.s32.f32 v1  }
0xd5: {  	s21 =	sadd.s32 $0x8, s21;
	s20 =	sadd.s32 $0x100, s20;
	v9 =	vld [tilespmem:s22+$0xFFFFFFA0];
	v8 =	vadd.f32 v4, v8;
	v4 =	vnsel vm0, $0x0, v4;
	vm0 =	veq.s32 v0, $0x1  }
0xd6: {  	p0 =	slt.u32 s21, $0x3F8;
	v0 =	vcvt.s32.f32 v0;
	v10 =	vld [tilespmem:s20+$0xFFFFFF90];
	v4 =	vadd.f32 v4, v6;
	v1 =	vadd.f32 v1, v7  }
0xd7: {  	v6 =	vld [tilespmem:s22+$0xFFFFFFB0];
	v7 =	vadd.f32 v5, v8;
	v5 =	vnsel vm0, $0x0, v5;
	vm0 =	veq.s32 v2, $0x1  }
0xd8: {  	v8 =	vld [tilespmem:s20+$0xFFFFFFA0];
	v4 =	vadd.f32 v5, v4;
	v0 =	vadd.f32 v0, v1;
	v1 =	vcvt.s32.f32 v2  }
0xd9: {  	vm1 =	veq.s32 v11, $0x1;
	v2 =	vld [tilespmem:s22+$0xFFFFFFC0];
	v5 =	vadd.f32 v3, v7;
	v3 =	vnsel vm0, $0x0, v3  }
0xda: {  	v7 =	vcvt.s32.f32 v11;
	v11 =	vld [tilespmem:s20+$0xFFFFFFB0];
	v3 =	vadd.f32 v3, v4;
	v0 =	vadd.f32 v1, v0  }
0xdb: {  	vm0 =	veq.s32 v9, $0x1;
	v1 =	vadd.f32 v10, v5;
	v4 =	vnsel vm1, $0x0, v10;
	v5 =	vld [tilespmem:s22+$0xFFFFFFD0]  }
0xdc: {  	v3 =	vadd.f32 v4, v3;
	v0 =	vadd.f32 v7, v0;
	v4 =	vcvt.s32.f32 v9;
	v7 =	vld [tilespmem:s20+$0xFFFFFFC0]  }
0xdd: {  	v9 =	vadd.f32 v8, v1;
	v8 =	vnsel vm0, $0x0, v8;
	vm0 =	veq.s32 v6, $0x1;
	v1 =	vld [tilespmem:s22+$0xFFFFFFE0]  }
0xde: {  	v6 =	vcvt.s32.f32 v6;
	v3 =	vadd.f32 v8, v3;
	v4 =	vadd.f32 v4, v0;
	v10 =	vld [tilespmem:s20+$0xFFFFFFD0]  }
.Ltmp11:
0xdf: {  	v8 =	vadd.f32 v11, v9;
	v9 =	vnsel vm0, $0x0, v11;
	vm0 =	veq.s32 v2, $0x1;
	v0 =	vld [tilespmem:s22+$0xFFFFFFF0];
	(pc) =	sbr.rel @p0 .LBB2_24-.Ltmp11, $4  }
0xe0: {  	v11 =	vcvt.s32.f32 v2;
	v3 =	vadd.f32 v9, v3;
	v9 =	vadd.f32 v6, v4;
	v4 =	vld [tilespmem:s20+$0xFFFFFFE0]  }
0xe1: {  	v8 =	vadd.f32 v7, v8;
	v6 =	vnsel vm0, $0x0, v7;
	vm0 =	veq.s32 v5, $0x1;
	v2 =	vld [tilespmem:s22+$0x0]  }
0xe2: {  	v6 =	vadd.f32 v6, v3;
	v7 =	vadd.f32 v11, v9;
	v9 =	vcvt.s32.f32 v5;
	v5 =	vld [tilespmem:s20+$0xFFFFFFF0]  }
0xe3: {  	s22 =	sadd.s32 $0x100, s22;
	v8 =	vadd.f32 v10, v8;
	v10 =	vnsel vm0, $0x0, v10;
	vm0 =	veq.s32 v1, $0x1;
	v3 =	vld [tilespmem:s20+$0x0]  }
0xe4: {  	v6 =	vadd.f32 v10, v6;
	v7 =	vadd.f32 v9, v7  }
0xe5: {  	v1 =	vcvt.s32.f32 v1;
	v8 =	vadd.f32 v4, v8;
	v57 =	vnsel vm0, $0x0, v4  }
0xe6: {  	vm14 =	veq.s32 v0, $0x1;
	v58 =	vcvt.s32.f32 v0;
	v4 =	vadd.f32 v57, v6  }
0xe7: {  	v1 =	vadd.f32 v1, v7;
	v59 =	vadd.f32 v5, v8;
	v60 =	vnsel vm14, $0x0, v5  }
0xe8: {  	vm15 =	veq.s32 v2, $0x1;
	v61 =	vcvt.s32.f32 v2;
	v4 =	vadd.f32 v60, v4  }
0xe9: {  	v0 =	vadd.f32 v58, v1;
	v63 =	vnsel vm15, $0x0, v3;
	v62 =	vadd.f32 v3, v59  }
0xea: {  	v3 =	vadd.f32 v63, v4  }
0xeb: {  	s19 =	sadd.s32 $0x1, s19;
	v0 =	vadd.f32 v61, v0;
	[tilespmem:$0x10000] =	vst v62  }
0xec: {  	p0 =	sne.s32 s19, s12;
	[tilespmem:$0x10080] =	vst v3  }
.Ltmp12:
0xed: {  	[tilespmem:$0x10100] =	vst v0;
	(pc) =	sbr.rel @p0 .LBB2_1-.Ltmp12, $4  }
0xee: {  	[hbm4b:s11+s2] =	stream.linear.scatter [tilespmem:s17], [sflag:$0x5], $0x180, $0x38;
	[tilespmem:$0x10200] =	vst v63  }
0xef: {  	_ =	swait.ge [sflag:s18], $0x180  }
0xf0: {  	[sflag:s18] =	ssyncset.done $0x0  }
0xf1: {  	[sflag:s18] =	ssyncadd.s32 $0xFFFFFE80  }
0xf2: {  	_ =	sfence.sel $0x180000  }
0xf3: {  	[bflag:$0x0] =	sbarrier.arrive $0xFFFF  }
0xf4: {  	p0 =	sne.s32 s1, $0x0;
	_ =	strace $0x90000047  }
0xf5: {  	s0 =	sadd.s32 @!p0 $0x100000, s0;
	[bflag:$0x2] =	sbarrier.arrive $0xFFFF  }
0xf6: {  	[sflag:s0] =	ssyncadd.tile.s32 @!p0 $0x1;
	_ =	shalt  }
.Lfunc_end2:
_tile_overlayer_lowered:
.L_overlay_start_2:
0xf7: {  	(tag) =	ssettag $0x2  }
0xf8: {  	s0 =	rddreg [dreg:$0x0];
	s2 =	stileid.u32  }
0xf9: {  	s1 =	rddreg [dreg:$0x1];
	p0 =	sne.s32 s2, $0x0  }
0xfa: {  	s3 =	rddreg [dreg:$0x2];
	[bflag:$0x3] =	sbarrier.arrive $0xFFFF;
	s2 =	simm.s32 @!p0 $0x1C05  }
0xfb: {  	[timem:s3], [sflag:s2] =	dma.local @!p0 [hbm:s0], s1  }
0xfc: {  	s0 =	simm.s32 @!p0 $0x5  }
0xfd: {  	_ =	swait.ge @!p0 [sflag:s0], s1  }
0xfe: {  	s1 =	ssub.s32 @!p0 $0x0, s1;
	[sflag:s0] =	ssyncset.done @!p0 $0x0  }
0xff: {  	[sflag:s0] =	ssyncadd.s32 @!p0 s1  }
0x100: {  	[bflag:$0x3] =	sbarrier.arrive $0xFFFF  }
0x101: {  	_ =	shalt  }

</sc_bundles>
